<compile_context>
chip_gen: v7x
topology: tpu7x:2x2x1
jax: 0.10.2.dev20260603
libtpu: 0.0.44.dev20260713+nightly
codegen_flags: <defaults>
</compile_context>

<pallas_src>
import functools

import jax
import jax.numpy as jnp
from jax import lax
from jax.experimental import pallas as pl
from jax.experimental.pallas import tpu as pltpu
from jax.experimental.pallas import tpu_sc as plsc

NC = 2
NS = 16
NW = NC * NS
L = 16

B, L1, L2 = 1024, 26, 20
B_TOTAL = B * L1 * L2
D = 32
B_PER_W = B_TOTAL // NW
BATCH_PER_W = B // NW
CB = 2
CHUNK = CB * L1 * L2
NCHUNK = BATCH_PER_W // CB
GPC = CHUNK // L


@functools.partial(
    pl.kernel,
    out_type=jax.ShapeDtypeStruct((B_TOTAL, D), jnp.float32),
    mesh=plsc.VectorSubcoreMesh(core_axis_name="c", subcore_axis_name="s"),
    scratch_types=[
        pltpu.VMEM((BATCH_PER_W, L1, L2), jnp.int32),
        pltpu.VMEM((B_PER_W,), jnp.int32),
        pltpu.VMEM((CHUNK, D), jnp.float32),
        pltpu.VMEM((CHUNK, D), jnp.float32),
        pltpu.SemaphoreType.DMA,
        pltpu.SemaphoreType.DMA,
        pltpu.SemaphoreType.DMA,
        pltpu.SemaphoreType.DMA,
    ],
    compiler_params=pltpu.CompilerParams(
        use_tc_tiling_on_sc=False, needs_layout_passes=False),
)
def _emb_gather(x_hbm, table_hbm, out_hbm, x_v, idx_v, rows0, rows1,
                sg0, sg1, so0, so1):
    wid = lax.axis_index("s") * NC + lax.axis_index("c")
    base = wid * B_PER_W
    pltpu.sync_copy(x_hbm.at[pl.ds(wid * BATCH_PER_W, BATCH_PER_W)], x_v)

    lane = lax.iota(jnp.int32, L)

    def flatten_chunk(c):
        def grp(g, carry):
            bv, iv, jv = carry
            x = plsc.load_gather(x_v, [bv, iv, jv])
            idx_v[pl.ds(c * CHUNK + g * L, L)] = x
            jn = jv + L
            mj = jn >= L2
            jn = jnp.where(mj, jn - L2, jn)
            iv = iv + mj.astype(jnp.int32)
            mi = iv >= L1
            iv = jnp.where(mi, iv - L1, iv)
            bv = bv + mi.astype(jnp.int32)
            return bv, iv, jn

        lax.fori_loop(
            0, GPC, grp,
            (jnp.full((L,), CB * c, jnp.int32), jnp.zeros((L,), jnp.int32),
             lane))

    rows = (rows0, rows1)
    sg = (sg0, sg1)
    so = (so0, so1)
    gathers = [None] * NCHUNK
    outs = [None] * NCHUNK
    for c in range(NCHUNK):
        b = c % 2
        if c >= 2:
            outs[c - 2].wait()
        flatten_chunk(c)
        gathers[c] = pltpu.async_copy(
            table_hbm.at[idx_v.at[pl.ds(c * CHUNK, CHUNK)]], rows[b], sg[b])
        if c >= 1:
            gathers[c - 1].wait()
            outs[c - 1] = pltpu.async_copy(
                rows[1 - b], out_hbm.at[pl.ds(base + (c - 1) * CHUNK, CHUNK)],
                so[1 - b])
    last = NCHUNK - 1
    gathers[last].wait()
    outs[last] = pltpu.async_copy(
        rows[last % 2], out_hbm.at[pl.ds(base + last * CHUNK, CHUNK)],
        so[last % 2])
    outs[last - 1].wait()
    outs[last].wait()


def kernel(X, W):
    out = _emb_gather(X, W)
    return out.reshape(X.shape + (W.shape[1],))

# --- scband reference (transcript-rebuilt; emitter-appended) ---
"""Pipeline reference for scband-higher-order-embedding-18992345383149 (READ-ONLY COPY).

The authoritative reference and input builder live on the scoring server;
editing this copy changes nothing except your own understanding.
"""

import jax, jax.numpy as jnp
import numpy as np

INPUT_DIM = 1000000
OUTPUT_DIM = 32
BATCH = 1024
L1 = 26
L2 = 20

def setup_inputs(seed: int = 0) -> dict:
    key = jax.random.key(seed)
    k_idx, k_w = jax.random.split(key)
    X = jax.random.randint(k_idx, (BATCH, L1, L2), 0, INPUT_DIM, dtype=jnp.int32)
    # Keras 'uniform' init: U(-0.05, 0.05)
    W = jax.random.uniform(k_w, (INPUT_DIM, OUTPUT_DIM), dtype=jnp.float32, minval=-0.05, maxval=0.05)
    return {"X": X, "W": W}

def reference(X, W):
    # Faithful translation of HigherOrderEmbedding.get_output:
    #   X_ind = cast(X, 'int32'); out = K.gather(W, X_ind)
    X_ind = X.astype(jnp.int32)
    out = jnp.take(W, X_ind, axis=0)  # [B, L1, L2, output_dim]
    return out

if __name__ == "__main__":
    import jax
    _d = setup_inputs()
    print(jax.jit(kernel)(*tuple(_d.values())))

</pallas_src>

<mosaic_0001>
#map = affine_map<(d0, d1) -> (0, 0, 0)>
#map1 = affine_map<(d0, d1) -> (0, 0)>
module attributes {stable_mosaic.version = 14 : i64} {
  func.func @_emb_gather(%arg0: i32, %arg1: i32, %arg2: memref<1024x26x20xi32, #tpu.memory_space<hbm>>, %arg3: memref<1000000x32xf32, #tpu.memory_space<hbm>>, %arg4: memref<532480x32xf32, #tpu.memory_space<hbm>>, %arg5: memref<32x26x20xi32, #tpu.memory_space<vmem>>, %arg6: memref<16640xi32, #tpu.memory_space<vmem>>, %arg7: memref<1040x32xf32, #tpu.memory_space<vmem>>, %arg8: memref<1040x32xf32, #tpu.memory_space<vmem>>, %arg9: memref<!tpu.dma_semaphore, #tpu.memory_space<semaphore_mem>>, %arg10: memref<!tpu.dma_semaphore, #tpu.memory_space<semaphore_mem>>, %arg11: memref<!tpu.dma_semaphore, #tpu.memory_space<semaphore_mem>>, %arg12: memref<!tpu.dma_semaphore, #tpu.memory_space<semaphore_mem>>) attributes {dimension_semantics = [#tpu.dimension_semantics<core_parallel>, #tpu.dimension_semantics<subcore_parallel>], iteration_bounds = array<i64: 2, 16>, scalar_prefetch = 0 : i64, scratch_operands = 8 : i64, tpu.core_type = #tpu.core_type<sc_vector_subcore>, window_params = [{transform_indices = #map}, {transform_indices = #map1}, {transform_indices = #map1}]} {
    %mul3A = arith.constant 2 : i32
    %mul3A_0 = arith.muli %arg1, %mul3A : i32
    %add3A = arith.addi %mul3A_0, %arg0 : i32
    %mul3A_1 = arith.constant 16640 : i32
    %mul3A_2 = arith.muli %add3A, %mul3A_1 : i32
    %mul3A_3 = arith.constant 32 : i32
    %mul3A_4 = arith.muli %add3A, %mul3A_3 : i32
    "tpu.region"() ({
      %run_scoped3A = tpu.sem_alloc : memref<!tpu.dma_semaphore, #tpu.memory_space<semaphore_mem>>
      %dma_start3A_481 = arith.constant 0 : i32
      %dma_start3A_482 = arith.constant 0 : i32
      %dma_start3A_483 = tpu.memref_slice %arg2[%mul3A_4, %dma_start3A_481, %dma_start3A_482] : memref<1024x26x20xi32, #tpu.memory_space<hbm>> -> memref<32x26x20xi32, #tpu.memory_space<hbm>>
      %dma_start3A_484 = arith.constant 0 : i32
      %dma_start3A_485 = arith.constant 0 : i32
      %dma_start3A_486 = tpu.memref_slice %arg2[%mul3A_4, %dma_start3A_484, %dma_start3A_485] : memref<1024x26x20xi32, #tpu.memory_space<hbm>> -> memref<32x26x20xi32, #tpu.memory_space<hbm>>
      tpu.enqueue_dma source(%dma_start3A_486 : memref<32x26x20xi32, #tpu.memory_space<hbm>>) target(%arg5 : memref<32x26x20xi32, #tpu.memory_space<vmem>>) target_semaphore(%run_scoped3A : memref<!tpu.dma_semaphore, #tpu.memory_space<semaphore_mem>>)
      %dma_wait3A_487 = arith.constant 0 : i32
      %dma_wait3A_488 = arith.constant 0 : i32
      %dma_wait3A_489 = tpu.memref_slice %arg2[%mul3A_4, %dma_wait3A_487, %dma_wait3A_488] : memref<1024x26x20xi32, #tpu.memory_space<hbm>> -> memref<32x26x20xi32, #tpu.memory_space<hbm>>
      %dma_wait3A_490 = arith.constant 0 : i32
      %dma_wait3A_491 = arith.constant 0 : i32
      %dma_wait3A_492 = tpu.memref_slice %arg2[%mul3A_4, %dma_wait3A_490, %dma_wait3A_491] : memref<1024x26x20xi32, #tpu.memory_space<hbm>> -> memref<32x26x20xi32, #tpu.memory_space<hbm>>
      tpu.wait_dma2 semaphore(%run_scoped3A : memref<!tpu.dma_semaphore, #tpu.memory_space<semaphore_mem>>) src(%dma_wait3A_492 : memref<32x26x20xi32, #tpu.memory_space<hbm>>) dst(%arg5 : memref<32x26x20xi32, #tpu.memory_space<vmem>>)
      tpu.yield
    }) : () -> ()
    %iota3A = tpu.iota {dimensions = array<i32: 0>} : vector<16xi32>
    %broadcast_in_dim3A = arith.constant 0 : i32
    %broadcast_in_dim3A_5 = vector.broadcast %broadcast_in_dim3A : i32 to vector<16xi32>
    %broadcast_in_dim3A_6 = arith.constant 0 : i32
    %broadcast_in_dim3A_7 = vector.broadcast %broadcast_in_dim3A_6 : i32 to vector<16xi32>
    %scan3A = arith.constant 0 : i32
    %scan3A_8 = arith.constant 65 : i32
    %scan3A_9 = arith.addi %scan3A, %scan3A_8 : i32
    %scan3A_10 = arith.constant 1 : i32
    %scan3A_11:3 = scf.for %scan3A_481 = %scan3A to %scan3A_9 step %scan3A_10 iter_args(%scan3A_482 = %broadcast_in_dim3A_5, %scan3A_483 = %broadcast_in_dim3A_7, %scan3A_484 = %iota3A) -> (vector<16xi32>, vector<16xi32>, vector<16xi32>)  : i32 {
      %gather3A = tpu.vector_load_idx %arg5[%scan3A_482, %scan3A_483, %scan3A_484] : memref<32x26x20xi32, #tpu.memory_space<vmem>>[vector<16xi32>, vector<16xi32>, vector<16xi32>], vector<16xi32>,
      %mul3A_485 = arith.constant 16 : i32
      %mul3A_486 = arith.muli %scan3A_481, %mul3A_485 : i32
      %add3A_487 = arith.constant 0 : i32
      %add3A_488 = arith.addi %add3A_487, %mul3A_486 : i32
      %swap3A = arith.index_cast %add3A_488 : i32 to index
      %swap3A_489 = tpu.vector_load %arg6[%swap3A] {strides = array<i32>} : memref<16640xi32, #tpu.memory_space<vmem>>, vector<16xi32>,
      tpu.vector_store %arg6[%swap3A], %gather3A {strides = array<i32>} : memref<16640xi32, #tpu.memory_space<vmem>>, vector<16xi32>,
      %add3A_490 = arith.constant 16 : i32
      %add3A_491 = vector.broadcast %add3A_490 : i32 to vector<16xi32>
      %add3A_492 = arith.addi %scan3A_484, %add3A_491 : vector<16xi32>
      %ge3A = arith.constant 20 : i32
      %ge3A_493 = vector.broadcast %ge3A : i32 to vector<16xi32>
      %ge3A_494 = arith.cmpi sge, %add3A_492, %ge3A_493 : vector<16xi32>
      %sub3A = arith.constant 20 : i32
      %sub3A_495 = vector.broadcast %sub3A : i32 to vector<16xi32>
      %sub3A_496 = arith.subi %add3A_492, %sub3A_495 : vector<16xi32>
      %select_n3A = arith.select %ge3A_494, %sub3A_496, %add3A_492 : vector<16xi1>, vector<16xi32>
      %convert_element_type3A = arith.extui %ge3A_494 : vector<16xi1> to vector<16xi32>
      %add3A_497 = arith.addi %scan3A_483, %convert_element_type3A : vector<16xi32>
      %ge3A_498 = arith.constant 26 : i32
      %ge3A_499 = vector.broadcast %ge3A_498 : i32 to vector<16xi32>
      %ge3A_500 = arith.cmpi sge, %add3A_497, %ge3A_499 : vector<16xi32>
      %sub3A_501 = arith.constant 26 : i32
      %sub3A_502 = vector.broadcast %sub3A_501 : i32 to vector<16xi32>
      %sub3A_503 = arith.subi %add3A_497, %sub3A_502 : vector<16xi32>
      %select_n3A_504 = arith.select %ge3A_500, %sub3A_503, %add3A_497 : vector<16xi1>, vector<16xi32>
      %convert_element_type3A_505 = arith.extui %ge3A_500 : vector<16xi1> to vector<16xi32>
      %add3A_506 = arith.addi %scan3A_482, %convert_element_type3A_505 : vector<16xi32>
      scf.yield %add3A_506, %select_n3A_504, %select_n3A : vector<16xi32>, vector<16xi32>, vector<16xi32>
    }
    %scan3A_12 = arith.constant 65 : i32
    %dma_start3A = arith.constant 0 : i32
    %dma_start3A_13 = tpu.memref_slice %arg6[%dma_start3A] : memref<16640xi32, #tpu.memory_space<vmem>> -> memref<1040xi32, #tpu.memory_space<vmem>>
    %dma_start3A_14 = arith.constant 0 : i32
    %dma_start3A_15 = arith.constant 0 : i32
    %dma_start3A_16 = tpu.memref_slice %arg3[%dma_start3A_14, %dma_start3A_15] : memref<1000000x32xf32, #tpu.memory_space<hbm>> -> memref<1000000x32xf32, #tpu.memory_space<hbm>>
    tpu.enqueue_indirect_dma source(%dma_start3A_16 : memref<1000000x32xf32, #tpu.memory_space<hbm>>) target(%arg7 : memref<1040x32xf32, #tpu.memory_space<vmem>>) offsets(%dma_start3A_13 : memref<1040xi32, #tpu.memory_space<vmem>>) semaphore(%arg9 : memref<!tpu.dma_semaphore, #tpu.memory_space<semaphore_mem>>)
    %broadcast_in_dim3A_17 = arith.constant 2 : i32
    %broadcast_in_dim3A_18 = vector.broadcast %broadcast_in_dim3A_17 : i32 to vector<16xi32>
    %broadcast_in_dim3A_19 = arith.constant 0 : i32
    %broadcast_in_dim3A_20 = vector.broadcast %broadcast_in_dim3A_19 : i32 to vector<16xi32>
    %scan3A_21 = arith.constant 0 : i32
    %scan3A_22 = arith.constant 65 : i32
    %scan3A_23 = arith.addi %scan3A_21, %scan3A_22 : i32
    %scan3A_24 = arith.constant 1 : i32
    %scan3A_25:3 = scf.for %scan3A_481 = %scan3A_21 to %scan3A_23 step %scan3A_24 iter_args(%scan3A_482 = %broadcast_in_dim3A_18, %scan3A_483 = %broadcast_in_dim3A_20, %scan3A_484 = %iota3A) -> (vector<16xi32>, vector<16xi32>, vector<16xi32>)  : i32 {
      %gather3A = tpu.vector_load_idx %arg5[%scan3A_482, %scan3A_483, %scan3A_484] : memref<32x26x20xi32, #tpu.memory_space<vmem>>[vector<16xi32>, vector<16xi32>, vector<16xi32>], vector<16xi32>,
      %mul3A_485 = arith.constant 16 : i32
      %mul3A_486 = arith.muli %scan3A_481, %mul3A_485 : i32
      %add3A_487 = arith.constant 1040 : i32
      %add3A_488 = arith.addi %add3A_487, %mul3A_486 : i32
      %swap3A = arith.index_cast %add3A_488 : i32 to index
      %swap3A_489 = tpu.vector_load %arg6[%swap3A] {strides = array<i32>} : memref<16640xi32, #tpu.memory_space<vmem>>, vector<16xi32>,
      tpu.vector_store %arg6[%swap3A], %gather3A {strides = array<i32>} : memref<16640xi32, #tpu.memory_space<vmem>>, vector<16xi32>,
      %add3A_490 = arith.constant 16 : i32
      %add3A_491 = vector.broadcast %add3A_490 : i32 to vector<16xi32>
      %add3A_492 = arith.addi %scan3A_484, %add3A_491 : vector<16xi32>
      %ge3A = arith.constant 20 : i32
      %ge3A_493 = vector.broadcast %ge3A : i32 to vector<16xi32>
      %ge3A_494 = arith.cmpi sge, %add3A_492, %ge3A_493 : vector<16xi32>
      %sub3A = arith.constant 20 : i32
      %sub3A_495 = vector.broadcast %sub3A : i32 to vector<16xi32>
      %sub3A_496 = arith.subi %add3A_492, %sub3A_495 : vector<16xi32>
      %select_n3A = arith.select %ge3A_494, %sub3A_496, %add3A_492 : vector<16xi1>, vector<16xi32>
      %convert_element_type3A = arith.extui %ge3A_494 : vector<16xi1> to vector<16xi32>
      %add3A_497 = arith.addi %scan3A_483, %convert_element_type3A : vector<16xi32>
      %ge3A_498 = arith.constant 26 : i32
      %ge3A_499 = vector.broadcast %ge3A_498 : i32 to vector<16xi32>
      %ge3A_500 = arith.cmpi sge, %add3A_497, %ge3A_499 : vector<16xi32>
      %sub3A_501 = arith.constant 26 : i32
      %sub3A_502 = vector.broadcast %sub3A_501 : i32 to vector<16xi32>
      %sub3A_503 = arith.subi %add3A_497, %sub3A_502 : vector<16xi32>
      %select_n3A_504 = arith.select %ge3A_500, %sub3A_503, %add3A_497 : vector<16xi1>, vector<16xi32>
      %convert_element_type3A_505 = arith.extui %ge3A_500 : vector<16xi1> to vector<16xi32>
      %add3A_506 = arith.addi %scan3A_482, %convert_element_type3A_505 : vector<16xi32>
      scf.yield %add3A_506, %select_n3A_504, %select_n3A : vector<16xi32>, vector<16xi32>, vector<16xi32>
    }
    %scan3A_26 = arith.constant 65 : i32
    %dma_start3A_27 = arith.constant 1040 : i32
    %dma_start3A_28 = tpu.memref_slice %arg6[%dma_start3A_27] : memref<16640xi32, #tpu.memory_space<vmem>> -> memref<1040xi32, #tpu.memory_space<vmem>>
    %dma_start3A_29 = arith.constant 0 : i32
    %dma_start3A_30 = arith.constant 0 : i32
    %dma_start3A_31 = tpu.memref_slice %arg3[%dma_start3A_29, %dma_start3A_30] : memref<1000000x32xf32, #tpu.memory_space<hbm>> -> memref<1000000x32xf32, #tpu.memory_space<hbm>>
    tpu.enqueue_indirect_dma source(%dma_start3A_31 : memref<1000000x32xf32, #tpu.memory_space<hbm>>) target(%arg8 : memref<1040x32xf32, #tpu.memory_space<vmem>>) offsets(%dma_start3A_28 : memref<1040xi32, #tpu.memory_space<vmem>>) semaphore(%arg10 : memref<!tpu.dma_semaphore, #tpu.memory_space<semaphore_mem>>)
    %dma_wait3A = arith.constant 0 : i32
    %dma_wait3A_32 = tpu.memref_slice %arg6[%dma_wait3A] : memref<16640xi32, #tpu.memory_space<vmem>> -> memref<1040xi32, #tpu.memory_space<vmem>>
    %dma_wait3A_33 = arith.constant 0 : i32
    %dma_wait3A_34 = arith.constant 0 : i32
    %dma_wait3A_35 = tpu.memref_slice %arg3[%dma_wait3A_33, %dma_wait3A_34] : memref<1000000x32xf32, #tpu.memory_space<hbm>> -> memref<1000000x32xf32, #tpu.memory_space<hbm>>
    tpu.wait_indirect_dma semaphore(%arg9 : memref<!tpu.dma_semaphore, #tpu.memory_space<semaphore_mem>>) src(%dma_wait3A_35 : memref<1000000x32xf32, #tpu.memory_space<hbm>>) dst(%arg7 : memref<1040x32xf32, #tpu.memory_space<vmem>>)
    %add3A_36 = arith.constant 0 : i32
    %add3A_37 = arith.addi %mul3A_2, %add3A_36 : i32
    %dma_start3A_38 = arith.constant 0 : i32
    %dma_start3A_39 = tpu.memref_slice %arg4[%add3A_37, %dma_start3A_38] : memref<532480x32xf32, #tpu.memory_space<hbm>> -> memref<1040x32xf32, #tpu.memory_space<hbm>>
    %dma_start3A_40 = arith.constant 0 : i32
    %dma_start3A_41 = tpu.memref_slice %arg4[%add3A_37, %dma_start3A_40] : memref<532480x32xf32, #tpu.memory_space<hbm>> -> memref<1040x32xf32, #tpu.memory_space<hbm>>
    tpu.enqueue_dma source(%arg7 : memref<1040x32xf32, #tpu.memory_space<vmem>>) target(%dma_start3A_41 : memref<1040x32xf32, #tpu.memory_space<hbm>>) target_semaphore(%arg11 : memref<!tpu.dma_semaphore, #tpu.memory_space<semaphore_mem>>)
    %dma_wait3A_42 = arith.constant 0 : i32
    %dma_wait3A_43 = tpu.memref_slice %arg4[%add3A_37, %dma_wait3A_42] : memref<532480x32xf32, #tpu.memory_space<hbm>> -> memref<1040x32xf32, #tpu.memory_space<hbm>>
    %dma_wait3A_44 = arith.constant 0 : i32
    %dma_wait3A_45 = tpu.memref_slice %arg4[%add3A_37, %dma_wait3A_44] : memref<532480x32xf32, #tpu.memory_space<hbm>> -> memref<1040x32xf32, #tpu.memory_space<hbm>>
    tpu.wait_dma2 semaphore(%arg11 : memref<!tpu.dma_semaphore, #tpu.memory_space<semaphore_mem>>) src(%arg7 : memref<1040x32xf32, #tpu.memory_space<vmem>>) dst(%dma_wait3A_45 : memref<1040x32xf32, #tpu.memory_space<hbm>>)
    %broadcast_in_dim3A_46 = arith.constant 4 : i32
    %broadcast_in_dim3A_47 = vector.broadcast %broadcast_in_dim3A_46 : i32 to vector<16xi32>
    %broadcast_in_dim3A_48 = arith.constant 0 : i32
    %broadcast_in_dim3A_49 = vector.broadcast %broadcast_in_dim3A_48 : i32 to vector<16xi32>
    %scan3A_50 = arith.constant 0 : i32
    %scan3A_51 = arith.constant 65 : i32
    %scan3A_52 = arith.addi %scan3A_50, %scan3A_51 : i32
    %scan3A_53 = arith.constant 1 : i32
    %scan3A_54:3 = scf.for %scan3A_481 = %scan3A_50 to %scan3A_52 step %scan3A_53 iter_args(%scan3A_482 = %broadcast_in_dim3A_47, %scan3A_483 = %broadcast_in_dim3A_49, %scan3A_484 = %iota3A) -> (vector<16xi32>, vector<16xi32>, vector<16xi32>)  : i32 {
      %gather3A = tpu.vector_load_idx %arg5[%scan3A_482, %scan3A_483, %scan3A_484] : memref<32x26x20xi32, #tpu.memory_space<vmem>>[vector<16xi32>, vector<16xi32>, vector<16xi32>], vector<16xi32>,
      %mul3A_485 = arith.constant 16 : i32
      %mul3A_486 = arith.muli %scan3A_481, %mul3A_485 : i32
      %add3A_487 = arith.constant 2080 : i32
      %add3A_488 = arith.addi %add3A_487, %mul3A_486 : i32
      %swap3A = arith.index_cast %add3A_488 : i32 to index
      %swap3A_489 = tpu.vector_load %arg6[%swap3A] {strides = array<i32>} : memref<16640xi32, #tpu.memory_space<vmem>>, vector<16xi32>,
      tpu.vector_store %arg6[%swap3A], %gather3A {strides = array<i32>} : memref<16640xi32, #tpu.memory_space<vmem>>, vector<16xi32>,
      %add3A_490 = arith.constant 16 : i32
      %add3A_491 = vector.broadcast %add3A_490 : i32 to vector<16xi32>
      %add3A_492 = arith.addi %scan3A_484, %add3A_491 : vector<16xi32>
      %ge3A = arith.constant 20 : i32
      %ge3A_493 = vector.broadcast %ge3A : i32 to vector<16xi32>
      %ge3A_494 = arith.cmpi sge, %add3A_492, %ge3A_493 : vector<16xi32>
      %sub3A = arith.constant 20 : i32
      %sub3A_495 = vector.broadcast %sub3A : i32 to vector<16xi32>
      %sub3A_496 = arith.subi %add3A_492, %sub3A_495 : vector<16xi32>
      %select_n3A = arith.select %ge3A_494, %sub3A_496, %add3A_492 : vector<16xi1>, vector<16xi32>
      %convert_element_type3A = arith.extui %ge3A_494 : vector<16xi1> to vector<16xi32>
      %add3A_497 = arith.addi %scan3A_483, %convert_element_type3A : vector<16xi32>
      %ge3A_498 = arith.constant 26 : i32
      %ge3A_499 = vector.broadcast %ge3A_498 : i32 to vector<16xi32>
      %ge3A_500 = arith.cmpi sge, %add3A_497, %ge3A_499 : vector<16xi32>
      %sub3A_501 = arith.constant 26 : i32
      %sub3A_502 = vector.broadcast %sub3A_501 : i32 to vector<16xi32>
      %sub3A_503 = arith.subi %add3A_497, %sub3A_502 : vector<16xi32>
      %select_n3A_504 = arith.select %ge3A_500, %sub3A_503, %add3A_497 : vector<16xi1>, vector<16xi32>
      %convert_element_type3A_505 = arith.extui %ge3A_500 : vector<16xi1> to vector<16xi32>
      %add3A_506 = arith.addi %scan3A_482, %convert_element_type3A_505 : vector<16xi32>
      scf.yield %add3A_506, %select_n3A_504, %select_n3A : vector<16xi32>, vector<16xi32>, vector<16xi32>
    }
    %scan3A_55 = arith.constant 65 : i32
    %dma_start3A_56 = arith.constant 2080 : i32
    %dma_start3A_57 = tpu.memref_slice %arg6[%dma_start3A_56] : memref<16640xi32, #tpu.memory_space<vmem>> -> memref<1040xi32, #tpu.memory_space<vmem>>
    %dma_start3A_58 = arith.constant 0 : i32
    %dma_start3A_59 = arith.constant 0 : i32
    %dma_start3A_60 = tpu.memref_slice %arg3[%dma_start3A_58, %dma_start3A_59] : memref<1000000x32xf32, #tpu.memory_space<hbm>> -> memref<1000000x32xf32, #tpu.memory_space<hbm>>
    tpu.enqueue_indirect_dma source(%dma_start3A_60 : memref<1000000x32xf32, #tpu.memory_space<hbm>>) target(%arg7 : memref<1040x32xf32, #tpu.memory_space<vmem>>) offsets(%dma_start3A_57 : memref<1040xi32, #tpu.memory_space<vmem>>) semaphore(%arg9 : memref<!tpu.dma_semaphore, #tpu.memory_space<semaphore_mem>>)
    %dma_wait3A_61 = arith.constant 1040 : i32
    %dma_wait3A_62 = tpu.memref_slice %arg6[%dma_wait3A_61] : memref<16640xi32, #tpu.memory_space<vmem>> -> memref<1040xi32, #tpu.memory_space<vmem>>
    %dma_wait3A_63 = arith.constant 0 : i32
    %dma_wait3A_64 = arith.constant 0 : i32
    %dma_wait3A_65 = tpu.memref_slice %arg3[%dma_wait3A_63, %dma_wait3A_64] : memref<1000000x32xf32, #tpu.memory_space<hbm>> -> memref<1000000x32xf32, #tpu.memory_space<hbm>>
    tpu.wait_indirect_dma semaphore(%arg10 : memref<!tpu.dma_semaphore, #tpu.memory_space<semaphore_mem>>) src(%dma_wait3A_65 : memref<1000000x32xf32, #tpu.memory_space<hbm>>) dst(%arg8 : memref<1040x32xf32, #tpu.memory_space<vmem>>)
    %add3A_66 = arith.constant 1040 : i32
    %add3A_67 = arith.addi %mul3A_2, %add3A_66 : i32
    %dma_start3A_68 = arith.constant 0 : i32
    %dma_start3A_69 = tpu.memref_slice %arg4[%add3A_67, %dma_start3A_68] : memref<532480x32xf32, #tpu.memory_space<hbm>> -> memref<1040x32xf32, #tpu.memory_space<hbm>>
    %dma_start3A_70 = arith.constant 0 : i32
    %dma_start3A_71 = tpu.memref_slice %arg4[%add3A_67, %dma_start3A_70] : memref<532480x32xf32, #tpu.memory_space<hbm>> -> memref<1040x32xf32, #tpu.memory_space<hbm>>
    tpu.enqueue_dma source(%arg8 : memref<1040x32xf32, #tpu.memory_space<vmem>>) target(%dma_start3A_71 : memref<1040x32xf32, #tpu.memory_space<hbm>>) target_semaphore(%arg12 : memref<!tpu.dma_semaphore, #tpu.memory_space<semaphore_mem>>)
    %dma_wait3A_72 = arith.constant 0 : i32
    %dma_wait3A_73 = tpu.memref_slice %arg4[%add3A_67, %dma_wait3A_72] : memref<532480x32xf32, #tpu.memory_space<hbm>> -> memref<1040x32xf32, #tpu.memory_space<hbm>>
    %dma_wait3A_74 = arith.constant 0 : i32
    %dma_wait3A_75 = tpu.memref_slice %arg4[%add3A_67, %dma_wait3A_74] : memref<532480x32xf32, #tpu.memory_space<hbm>> -> memref<1040x32xf32, #tpu.memory_space<hbm>>
    tpu.wait_dma2 semaphore(%arg12 : memref<!tpu.dma_semaphore, #tpu.memory_space<semaphore_mem>>) src(%arg8 : memref<1040x32xf32, #tpu.memory_space<vmem>>) dst(%dma_wait3A_75 : memref<1040x32xf32, #tpu.memory_space<hbm>>)
    %broadcast_in_dim3A_76 = arith.constant 6 : i32
    %broadcast_in_dim3A_77 = vector.broadcast %broadcast_in_dim3A_76 : i32 to vector<16xi32>
    %broadcast_in_dim3A_78 = arith.constant 0 : i32
    %broadcast_in_dim3A_79 = vector.broadcast %broadcast_in_dim3A_78 : i32 to vector<16xi32>
    %scan3A_80 = arith.constant 0 : i32
    %scan3A_81 = arith.constant 65 : i32
    %scan3A_82 = arith.addi %scan3A_80, %scan3A_81 : i32
    %scan3A_83 = arith.constant 1 : i32
    %scan3A_84:3 = scf.for %scan3A_481 = %scan3A_80 to %scan3A_82 step %scan3A_83 iter_args(%scan3A_482 = %broadcast_in_dim3A_77, %scan3A_483 = %broadcast_in_dim3A_79, %scan3A_484 = %iota3A) -> (vector<16xi32>, vector<16xi32>, vector<16xi32>)  : i32 {
      %gather3A = tpu.vector_load_idx %arg5[%scan3A_482, %scan3A_483, %scan3A_484] : memref<32x26x20xi32, #tpu.memory_space<vmem>>[vector<16xi32>, vector<16xi32>, vector<16xi32>], vector<16xi32>,
      %mul3A_485 = arith.constant 16 : i32
      %mul3A_486 = arith.muli %scan3A_481, %mul3A_485 : i32
      %add3A_487 = arith.constant 3120 : i32
      %add3A_488 = arith.addi %add3A_487, %mul3A_486 : i32
      %swap3A = arith.index_cast %add3A_488 : i32 to index
      %swap3A_489 = tpu.vector_load %arg6[%swap3A] {strides = array<i32>} : memref<16640xi32, #tpu.memory_space<vmem>>, vector<16xi32>,
      tpu.vector_store %arg6[%swap3A], %gather3A {strides = array<i32>} : memref<16640xi32, #tpu.memory_space<vmem>>, vector<16xi32>,
      %add3A_490 = arith.constant 16 : i32
      %add3A_491 = vector.broadcast %add3A_490 : i32 to vector<16xi32>
      %add3A_492 = arith.addi %scan3A_484, %add3A_491 : vector<16xi32>
      %ge3A = arith.constant 20 : i32
      %ge3A_493 = vector.broadcast %ge3A : i32 to vector<16xi32>
      %ge3A_494 = arith.cmpi sge, %add3A_492, %ge3A_493 : vector<16xi32>
      %sub3A = arith.constant 20 : i32
      %sub3A_495 = vector.broadcast %sub3A : i32 to vector<16xi32>
      %sub3A_496 = arith.subi %add3A_492, %sub3A_495 : vector<16xi32>
      %select_n3A = arith.select %ge3A_494, %sub3A_496, %add3A_492 : vector<16xi1>, vector<16xi32>
      %convert_element_type3A = arith.extui %ge3A_494 : vector<16xi1> to vector<16xi32>
      %add3A_497 = arith.addi %scan3A_483, %convert_element_type3A : vector<16xi32>
      %ge3A_498 = arith.constant 26 : i32
      %ge3A_499 = vector.broadcast %ge3A_498 : i32 to vector<16xi32>
      %ge3A_500 = arith.cmpi sge, %add3A_497, %ge3A_499 : vector<16xi32>
      %sub3A_501 = arith.constant 26 : i32
      %sub3A_502 = vector.broadcast %sub3A_501 : i32 to vector<16xi32>
      %sub3A_503 = arith.subi %add3A_497, %sub3A_502 : vector<16xi32>
      %select_n3A_504 = arith.select %ge3A_500, %sub3A_503, %add3A_497 : vector<16xi1>, vector<16xi32>
      %convert_element_type3A_505 = arith.extui %ge3A_500 : vector<16xi1> to vector<16xi32>
      %add3A_506 = arith.addi %scan3A_482, %convert_element_type3A_505 : vector<16xi32>
      scf.yield %add3A_506, %select_n3A_504, %select_n3A : vector<16xi32>, vector<16xi32>, vector<16xi32>
    }
    %scan3A_85 = arith.constant 65 : i32
    %dma_start3A_86 = arith.constant 3120 : i32
    %dma_start3A_87 = tpu.memref_slice %arg6[%dma_start3A_86] : memref<16640xi32, #tpu.memory_space<vmem>> -> memref<1040xi32, #tpu.memory_space<vmem>>
    %dma_start3A_88 = arith.constant 0 : i32
    %dma_start3A_89 = arith.constant 0 : i32
    %dma_start3A_90 = tpu.memref_slice %arg3[%dma_start3A_88, %dma_start3A_89] : memref<1000000x32xf32, #tpu.memory_space<hbm>> -> memref<1000000x32xf32, #tpu.memory_space<hbm>>
    tpu.enqueue_indirect_dma source(%dma_start3A_90 : memref<1000000x32xf32, #tpu.memory_space<hbm>>) target(%arg8 : memref<1040x32xf32, #tpu.memory_space<vmem>>) offsets(%dma_start3A_87 : memref<1040xi32, #tpu.memory_space<vmem>>) semaphore(%arg10 : memref<!tpu.dma_semaphore, #tpu.memory_space<semaphore_mem>>)
    %dma_wait3A_91 = arith.constant 2080 : i32
    %dma_wait3A_92 = tpu.memref_slice %arg6[%dma_wait3A_91] : memref<16640xi32, #tpu.memory_space<vmem>> -> memref<1040xi32, #tpu.memory_space<vmem>>
    %dma_wait3A_93 = arith.constant 0 : i32
    %dma_wait3A_94 = arith.constant 0 : i32
    %dma_wait3A_95 = tpu.memref_slice %arg3[%dma_wait3A_93, %dma_wait3A_94] : memref<1000000x32xf32, #tpu.memory_space<hbm>> -> memref<1000000x32xf32, #tpu.memory_space<hbm>>
    tpu.wait_indirect_dma semaphore(%arg9 : memref<!tpu.dma_semaphore, #tpu.memory_space<semaphore_mem>>) src(%dma_wait3A_95 : memref<1000000x32xf32, #tpu.memory_space<hbm>>) dst(%arg7 : memref<1040x32xf32, #tpu.memory_space<vmem>>)
    %add3A_96 = arith.constant 2080 : i32
    %add3A_97 = arith.addi %mul3A_2, %add3A_96 : i32
    %dma_start3A_98 = arith.constant 0 : i32
    %dma_start3A_99 = tpu.memref_slice %arg4[%add3A_97, %dma_start3A_98] : memref<532480x32xf32, #tpu.memory_space<hbm>> -> memref<1040x32xf32, #tpu.memory_space<hbm>>
    %dma_start3A_100 = arith.constant 0 : i32
    %dma_start3A_101 = tpu.memref_slice %arg4[%add3A_97, %dma_start3A_100] : memref<532480x32xf32, #tpu.memory_space<hbm>> -> memref<1040x32xf32, #tpu.memory_space<hbm>>
    tpu.enqueue_dma source(%arg7 : memref<1040x32xf32, #tpu.memory_space<vmem>>) target(%dma_start3A_101 : memref<1040x32xf32, #tpu.memory_space<hbm>>) target_semaphore(%arg11 : memref<!tpu.dma_semaphore, #tpu.memory_space<semaphore_mem>>)
    %dma_wait3A_102 = arith.constant 0 : i32
    %dma_wait3A_103 = tpu.memref_slice %arg4[%add3A_97, %dma_wait3A_102] : memref<532480x32xf32, #tpu.memory_space<hbm>> -> memref<1040x32xf32, #tpu.memory_space<hbm>>
    %dma_wait3A_104 = arith.constant 0 : i32
    %dma_wait3A_105 = tpu.memref_slice %arg4[%add3A_97, %dma_wait3A_104] : memref<532480x32xf32, #tpu.memory_space<hbm>> -> memref<1040x32xf32, #tpu.memory_space<hbm>>
    tpu.wait_dma2 semaphore(%arg11 : memref<!tpu.dma_semaphore, #tpu.memory_space<semaphore_mem>>) src(%arg7 : memref<1040x32xf32, #tpu.memory_space<vmem>>) dst(%dma_wait3A_105 : memref<1040x32xf32, #tpu.memory_space<hbm>>)
    %broadcast_in_dim3A_106 = arith.constant 8 : i32
    %broadcast_in_dim3A_107 = vector.broadcast %broadcast_in_dim3A_106 : i32 to vector<16xi32>
    %broadcast_in_dim3A_108 = arith.constant 0 : i32
    %broadcast_in_dim3A_109 = vector.broadcast %broadcast_in_dim3A_108 : i32 to vector<16xi32>
    %scan3A_110 = arith.constant 0 : i32
    %scan3A_111 = arith.constant 65 : i32
    %scan3A_112 = arith.addi %scan3A_110, %scan3A_111 : i32
    %scan3A_113 = arith.constant 1 : i32
    %scan3A_114:3 = scf.for %scan3A_481 = %scan3A_110 to %scan3A_112 step %scan3A_113 iter_args(%scan3A_482 = %broadcast_in_dim3A_107, %scan3A_483 = %broadcast_in_dim3A_109, %scan3A_484 = %iota3A) -> (vector<16xi32>, vector<16xi32>, vector<16xi32>)  : i32 {
      %gather3A = tpu.vector_load_idx %arg5[%scan3A_482, %scan3A_483, %scan3A_484] : memref<32x26x20xi32, #tpu.memory_space<vmem>>[vector<16xi32>, vector<16xi32>, vector<16xi32>], vector<16xi32>,
      %mul3A_485 = arith.constant 16 : i32
      %mul3A_486 = arith.muli %scan3A_481, %mul3A_485 : i32
      %add3A_487 = arith.constant 4160 : i32
      %add3A_488 = arith.addi %add3A_487, %mul3A_486 : i32
      %swap3A = arith.index_cast %add3A_488 : i32 to index
      %swap3A_489 = tpu.vector_load %arg6[%swap3A] {strides = array<i32>} : memref<16640xi32, #tpu.memory_space<vmem>>, vector<16xi32>,
      tpu.vector_store %arg6[%swap3A], %gather3A {strides = array<i32>} : memref<16640xi32, #tpu.memory_space<vmem>>, vector<16xi32>,
      %add3A_490 = arith.constant 16 : i32
      %add3A_491 = vector.broadcast %add3A_490 : i32 to vector<16xi32>
      %add3A_492 = arith.addi %scan3A_484, %add3A_491 : vector<16xi32>
      %ge3A = arith.constant 20 : i32
      %ge3A_493 = vector.broadcast %ge3A : i32 to vector<16xi32>
      %ge3A_494 = arith.cmpi sge, %add3A_492, %ge3A_493 : vector<16xi32>
      %sub3A = arith.constant 20 : i32
      %sub3A_495 = vector.broadcast %sub3A : i32 to vector<16xi32>
      %sub3A_496 = arith.subi %add3A_492, %sub3A_495 : vector<16xi32>
      %select_n3A = arith.select %ge3A_494, %sub3A_496, %add3A_492 : vector<16xi1>, vector<16xi32>
      %convert_element_type3A = arith.extui %ge3A_494 : vector<16xi1> to vector<16xi32>
      %add3A_497 = arith.addi %scan3A_483, %convert_element_type3A : vector<16xi32>
      %ge3A_498 = arith.constant 26 : i32
      %ge3A_499 = vector.broadcast %ge3A_498 : i32 to vector<16xi32>
      %ge3A_500 = arith.cmpi sge, %add3A_497, %ge3A_499 : vector<16xi32>
      %sub3A_501 = arith.constant 26 : i32
      %sub3A_502 = vector.broadcast %sub3A_501 : i32 to vector<16xi32>
      %sub3A_503 = arith.subi %add3A_497, %sub3A_502 : vector<16xi32>
      %select_n3A_504 = arith.select %ge3A_500, %sub3A_503, %add3A_497 : vector<16xi1>, vector<16xi32>
      %convert_element_type3A_505 = arith.extui %ge3A_500 : vector<16xi1> to vector<16xi32>
      %add3A_506 = arith.addi %scan3A_482, %convert_element_type3A_505 : vector<16xi32>
      scf.yield %add3A_506, %select_n3A_504, %select_n3A : vector<16xi32>, vector<16xi32>, vector<16xi32>
    }
    %scan3A_115 = arith.constant 65 : i32
    %dma_start3A_116 = arith.constant 4160 : i32
    %dma_start3A_117 = tpu.memref_slice %arg6[%dma_start3A_116] : memref<16640xi32, #tpu.memory_space<vmem>> -> memref<1040xi32, #tpu.memory_space<vmem>>
    %dma_start3A_118 = arith.constant 0 : i32
    %dma_start3A_119 = arith.constant 0 : i32
    %dma_start3A_120 = tpu.memref_slice %arg3[%dma_start3A_118, %dma_start3A_119] : memref<1000000x32xf32, #tpu.memory_space<hbm>> -> memref<1000000x32xf32, #tpu.memory_space<hbm>>
    tpu.enqueue_indirect_dma source(%dma_start3A_120 : memref<1000000x32xf32, #tpu.memory_space<hbm>>) target(%arg7 : memref<1040x32xf32, #tpu.memory_space<vmem>>) offsets(%dma_start3A_117 : memref<1040xi32, #tpu.memory_space<vmem>>) semaphore(%arg9 : memref<!tpu.dma_semaphore, #tpu.memory_space<semaphore_mem>>)
    %dma_wait3A_121 = arith.constant 3120 : i32
    %dma_wait3A_122 = tpu.memref_slice %arg6[%dma_wait3A_121] : memref<16640xi32, #tpu.memory_space<vmem>> -> memref<1040xi32, #tpu.memory_space<vmem>>
    %dma_wait3A_123 = arith.constant 0 : i32
    %dma_wait3A_124 = arith.constant 0 : i32
    %dma_wait3A_125 = tpu.memref_slice %arg3[%dma_wait3A_123, %dma_wait3A_124] : memref<1000000x32xf32, #tpu.memory_space<hbm>> -> memref<1000000x32xf32, #tpu.memory_space<hbm>>
    tpu.wait_indirect_dma semaphore(%arg10 : memref<!tpu.dma_semaphore, #tpu.memory_space<semaphore_mem>>) src(%dma_wait3A_125 : memref<1000000x32xf32, #tpu.memory_space<hbm>>) dst(%arg8 : memref<1040x32xf32, #tpu.memory_space<vmem>>)
    %add3A_126 = arith.constant 3120 : i32
    %add3A_127 = arith.addi %mul3A_2, %add3A_126 : i32
    %dma_start3A_128 = arith.constant 0 : i32
    %dma_start3A_129 = tpu.memref_slice %arg4[%add3A_127, %dma_start3A_128] : memref<532480x32xf32, #tpu.memory_space<hbm>> -> memref<1040x32xf32, #tpu.memory_space<hbm>>
    %dma_start3A_130 = arith.constant 0 : i32
    %dma_start3A_131 = tpu.memref_slice %arg4[%add3A_127, %dma_start3A_130] : memref<532480x32xf32, #tpu.memory_space<hbm>> -> memref<1040x32xf32, #tpu.memory_space<hbm>>
    tpu.enqueue_dma source(%arg8 : memref<1040x32xf32, #tpu.memory_space<vmem>>) target(%dma_start3A_131 : memref<1040x32xf32, #tpu.memory_space<hbm>>) target_semaphore(%arg12 : memref<!tpu.dma_semaphore, #tpu.memory_space<semaphore_mem>>)
    %dma_wait3A_132 = arith.constant 0 : i32
    %dma_wait3A_133 = tpu.memref_slice %arg4[%add3A_127, %dma_wait3A_132] : memref<532480x32xf32, #tpu.memory_space<hbm>> -> memref<1040x32xf32, #tpu.memory_space<hbm>>
    %dma_wait3A_134 = arith.constant 0 : i32
    %dma_wait3A_135 = tpu.memref_slice %arg4[%add3A_127, %dma_wait3A_134] : memref<532480x32xf32, #tpu.memory_space<hbm>> -> memref<1040x32xf32, #tpu.memory_space<hbm>>
    tpu.wait_dma2 semaphore(%arg12 : memref<!tpu.dma_semaphore, #tpu.memory_space<semaphore_mem>>) src(%arg8 : memref<1040x32xf32, #tpu.memory_space<vmem>>) dst(%dma_wait3A_135 : memref<1040x32xf32, #tpu.memory_space<hbm>>)
    %broadcast_in_dim3A_136 = arith.constant 10 : i32
    %broadcast_in_dim3A_137 = vector.broadcast %broadcast_in_dim3A_136 : i32 to vector<16xi32>
    %broadcast_in_dim3A_138 = arith.constant 0 : i32
    %broadcast_in_dim3A_139 = vector.broadcast %broadcast_in_dim3A_138 : i32 to vector<16xi32>
    %scan3A_140 = arith.constant 0 : i32
    %scan3A_141 = arith.constant 65 : i32
    %scan3A_142 = arith.addi %scan3A_140, %scan3A_141 : i32
    %scan3A_143 = arith.constant 1 : i32
    %scan3A_144:3 = scf.for %scan3A_481 = %scan3A_140 to %scan3A_142 step %scan3A_143 iter_args(%scan3A_482 = %broadcast_in_dim3A_137, %scan3A_483 = %broadcast_in_dim3A_139, %scan3A_484 = %iota3A) -> (vector<16xi32>, vector<16xi32>, vector<16xi32>)  : i32 {
      %gather3A = tpu.vector_load_idx %arg5[%scan3A_482, %scan3A_483, %scan3A_484] : memref<32x26x20xi32, #tpu.memory_space<vmem>>[vector<16xi32>, vector<16xi32>, vector<16xi32>], vector<16xi32>,
      %mul3A_485 = arith.constant 16 : i32
      %mul3A_486 = arith.muli %scan3A_481, %mul3A_485 : i32
      %add3A_487 = arith.constant 5200 : i32
      %add3A_488 = arith.addi %add3A_487, %mul3A_486 : i32
      %swap3A = arith.index_cast %add3A_488 : i32 to index
      %swap3A_489 = tpu.vector_load %arg6[%swap3A] {strides = array<i32>} : memref<16640xi32, #tpu.memory_space<vmem>>, vector<16xi32>,
      tpu.vector_store %arg6[%swap3A], %gather3A {strides = array<i32>} : memref<16640xi32, #tpu.memory_space<vmem>>, vector<16xi32>,
      %add3A_490 = arith.constant 16 : i32
      %add3A_491 = vector.broadcast %add3A_490 : i32 to vector<16xi32>
      %add3A_492 = arith.addi %scan3A_484, %add3A_491 : vector<16xi32>
      %ge3A = arith.constant 20 : i32
      %ge3A_493 = vector.broadcast %ge3A : i32 to vector<16xi32>
      %ge3A_494 = arith.cmpi sge, %add3A_492, %ge3A_493 : vector<16xi32>
      %sub3A = arith.constant 20 : i32
      %sub3A_495 = vector.broadcast %sub3A : i32 to vector<16xi32>
      %sub3A_496 = arith.subi %add3A_492, %sub3A_495 : vector<16xi32>
      %select_n3A = arith.select %ge3A_494, %sub3A_496, %add3A_492 : vector<16xi1>, vector<16xi32>
      %convert_element_type3A = arith.extui %ge3A_494 : vector<16xi1> to vector<16xi32>
      %add3A_497 = arith.addi %scan3A_483, %convert_element_type3A : vector<16xi32>
      %ge3A_498 = arith.constant 26 : i32
      %ge3A_499 = vector.broadcast %ge3A_498 : i32 to vector<16xi32>
      %ge3A_500 = arith.cmpi sge, %add3A_497, %ge3A_499 : vector<16xi32>
      %sub3A_501 = arith.constant 26 : i32
      %sub3A_502 = vector.broadcast %sub3A_501 : i32 to vector<16xi32>
      %sub3A_503 = arith.subi %add3A_497, %sub3A_502 : vector<16xi32>
      %select_n3A_504 = arith.select %ge3A_500, %sub3A_503, %add3A_497 : vector<16xi1>, vector<16xi32>
      %convert_element_type3A_505 = arith.extui %ge3A_500 : vector<16xi1> to vector<16xi32>
      %add3A_506 = arith.addi %scan3A_482, %convert_element_type3A_505 : vector<16xi32>
      scf.yield %add3A_506, %select_n3A_504, %select_n3A : vector<16xi32>, vector<16xi32>, vector<16xi32>
    }
    %scan3A_145 = arith.constant 65 : i32
    %dma_start3A_146 = arith.constant 5200 : i32
    %dma_start3A_147 = tpu.memref_slice %arg6[%dma_start3A_146] : memref<16640xi32, #tpu.memory_space<vmem>> -> memref<1040xi32, #tpu.memory_space<vmem>>
    %dma_start3A_148 = arith.constant 0 : i32
    %dma_start3A_149 = arith.constant 0 : i32
    %dma_start3A_150 = tpu.memref_slice %arg3[%dma_start3A_148, %dma_start3A_149] : memref<1000000x32xf32, #tpu.memory_space<hbm>> -> memref<1000000x32xf32, #tpu.memory_space<hbm>>
    tpu.enqueue_indirect_dma source(%dma_start3A_150 : memref<1000000x32xf32, #tpu.memory_space<hbm>>) target(%arg8 : memref<1040x32xf32, #tpu.memory_space<vmem>>) offsets(%dma_start3A_147 : memref<1040xi32, #tpu.memory_space<vmem>>) semaphore(%arg10 : memref<!tpu.dma_semaphore, #tpu.memory_space<semaphore_mem>>)
    %dma_wait3A_151 = arith.constant 4160 : i32
    %dma_wait3A_152 = tpu.memref_slice %arg6[%dma_wait3A_151] : memref<16640xi32, #tpu.memory_space<vmem>> -> memref<1040xi32, #tpu.memory_space<vmem>>
    %dma_wait3A_153 = arith.constant 0 : i32
    %dma_wait3A_154 = arith.constant 0 : i32
    %dma_wait3A_155 = tpu.memref_slice %arg3[%dma_wait3A_153, %dma_wait3A_154] : memref<1000000x32xf32, #tpu.memory_space<hbm>> -> memref<1000000x32xf32, #tpu.memory_space<hbm>>
    tpu.wait_indirect_dma semaphore(%arg9 : memref<!tpu.dma_semaphore, #tpu.memory_space<semaphore_mem>>) src(%dma_wait3A_155 : memref<1000000x32xf32, #tpu.memory_space<hbm>>) dst(%arg7 : memref<1040x32xf32, #tpu.memory_space<vmem>>)
    %add3A_156 = arith.constant 4160 : i32
    %add3A_157 = arith.addi %mul3A_2, %add3A_156 : i32
    %dma_start3A_158 = arith.constant 0 : i32
    %dma_start3A_159 = tpu.memref_slice %arg4[%add3A_157, %dma_start3A_158] : memref<532480x32xf32, #tpu.memory_space<hbm>> -> memref<1040x32xf32, #tpu.memory_space<hbm>>
    %dma_start3A_160 = arith.constant 0 : i32
    %dma_start3A_161 = tpu.memref_slice %arg4[%add3A_157, %dma_start3A_160] : memref<532480x32xf32, #tpu.memory_space<hbm>> -> memref<1040x32xf32, #tpu.memory_space<hbm>>
    tpu.enqueue_dma source(%arg7 : memref<1040x32xf32, #tpu.memory_space<vmem>>) target(%dma_start3A_161 : memref<1040x32xf32, #tpu.memory_space<hbm>>) target_semaphore(%arg11 : memref<!tpu.dma_semaphore, #tpu.memory_space<semaphore_mem>>)
    %dma_wait3A_162 = arith.constant 0 : i32
    %dma_wait3A_163 = tpu.memref_slice %arg4[%add3A_157, %dma_wait3A_162] : memref<532480x32xf32, #tpu.memory_space<hbm>> -> memref<1040x32xf32, #tpu.memory_space<hbm>>
    %dma_wait3A_164 = arith.constant 0 : i32
    %dma_wait3A_165 = tpu.memref_slice %arg4[%add3A_157, %dma_wait3A_164] : memref<532480x32xf32, #tpu.memory_space<hbm>> -> memref<1040x32xf32, #tpu.memory_space<hbm>>
    tpu.wait_dma2 semaphore(%arg11 : memref<!tpu.dma_semaphore, #tpu.memory_space<semaphore_mem>>) src(%arg7 : memref<1040x32xf32, #tpu.memory_space<vmem>>) dst(%dma_wait3A_165 : memref<1040x32xf32, #tpu.memory_space<hbm>>)
    %broadcast_in_dim3A_166 = arith.constant 12 : i32
    %broadcast_in_dim3A_167 = vector.broadcast %broadcast_in_dim3A_166 : i32 to vector<16xi32>
    %broadcast_in_dim3A_168 = arith.constant 0 : i32
    %broadcast_in_dim3A_169 = vector.broadcast %broadcast_in_dim3A_168 : i32 to vector<16xi32>
    %scan3A_170 = arith.constant 0 : i32
    %scan3A_171 = arith.constant 65 : i32
    %scan3A_172 = arith.addi %scan3A_170, %scan3A_171 : i32
    %scan3A_173 = arith.constant 1 : i32
    %scan3A_174:3 = scf.for %scan3A_481 = %scan3A_170 to %scan3A_172 step %scan3A_173 iter_args(%scan3A_482 = %broadcast_in_dim3A_167, %scan3A_483 = %broadcast_in_dim3A_169, %scan3A_484 = %iota3A) -> (vector<16xi32>, vector<16xi32>, vector<16xi32>)  : i32 {
      %gather3A = tpu.vector_load_idx %arg5[%scan3A_482, %scan3A_483, %scan3A_484] : memref<32x26x20xi32, #tpu.memory_space<vmem>>[vector<16xi32>, vector<16xi32>, vector<16xi32>], vector<16xi32>,
      %mul3A_485 = arith.constant 16 : i32
      %mul3A_486 = arith.muli %scan3A_481, %mul3A_485 : i32
      %add3A_487 = arith.constant 6240 : i32
      %add3A_488 = arith.addi %add3A_487, %mul3A_486 : i32
      %swap3A = arith.index_cast %add3A_488 : i32 to index
      %swap3A_489 = tpu.vector_load %arg6[%swap3A] {strides = array<i32>} : memref<16640xi32, #tpu.memory_space<vmem>>, vector<16xi32>,
      tpu.vector_store %arg6[%swap3A], %gather3A {strides = array<i32>} : memref<16640xi32, #tpu.memory_space<vmem>>, vector<16xi32>,
      %add3A_490 = arith.constant 16 : i32
      %add3A_491 = vector.broadcast %add3A_490 : i32 to vector<16xi32>
      %add3A_492 = arith.addi %scan3A_484, %add3A_491 : vector<16xi32>
      %ge3A = arith.constant 20 : i32
      %ge3A_493 = vector.broadcast %ge3A : i32 to vector<16xi32>
      %ge3A_494 = arith.cmpi sge, %add3A_492, %ge3A_493 : vector<16xi32>
      %sub3A = arith.constant 20 : i32
      %sub3A_495 = vector.broadcast %sub3A : i32 to vector<16xi32>
      %sub3A_496 = arith.subi %add3A_492, %sub3A_495 : vector<16xi32>
      %select_n3A = arith.select %ge3A_494, %sub3A_496, %add3A_492 : vector<16xi1>, vector<16xi32>
      %convert_element_type3A = arith.extui %ge3A_494 : vector<16xi1> to vector<16xi32>
      %add3A_497 = arith.addi %scan3A_483, %convert_element_type3A : vector<16xi32>
      %ge3A_498 = arith.constant 26 : i32
      %ge3A_499 = vector.broadcast %ge3A_498 : i32 to vector<16xi32>
      %ge3A_500 = arith.cmpi sge, %add3A_497, %ge3A_499 : vector<16xi32>
      %sub3A_501 = arith.constant 26 : i32
      %sub3A_502 = vector.broadcast %sub3A_501 : i32 to vector<16xi32>
      %sub3A_503 = arith.subi %add3A_497, %sub3A_502 : vector<16xi32>
      %select_n3A_504 = arith.select %ge3A_500, %sub3A_503, %add3A_497 : vector<16xi1>, vector<16xi32>
      %convert_element_type3A_505 = arith.extui %ge3A_500 : vector<16xi1> to vector<16xi32>
      %add3A_506 = arith.addi %scan3A_482, %convert_element_type3A_505 : vector<16xi32>
      scf.yield %add3A_506, %select_n3A_504, %select_n3A : vector<16xi32>, vector<16xi32>, vector<16xi32>
    }
    %scan3A_175 = arith.constant 65 : i32
    %dma_start3A_176 = arith.constant 6240 : i32
    %dma_start3A_177 = tpu.memref_slice %arg6[%dma_start3A_176] : memref<16640xi32, #tpu.memory_space<vmem>> -> memref<1040xi32, #tpu.memory_space<vmem>>
    %dma_start3A_178 = arith.constant 0 : i32
    %dma_start3A_179 = arith.constant 0 : i32
    %dma_start3A_180 = tpu.memref_slice %arg3[%dma_start3A_178, %dma_start3A_179] : memref<1000000x32xf32, #tpu.memory_space<hbm>> -> memref<1000000x32xf32, #tpu.memory_space<hbm>>
    tpu.enqueue_indirect_dma source(%dma_start3A_180 : memref<1000000x32xf32, #tpu.memory_space<hbm>>) target(%arg7 : memref<1040x32xf32, #tpu.memory_space<vmem>>) offsets(%dma_start3A_177 : memref<1040xi32, #tpu.memory_space<vmem>>) semaphore(%arg9 : memref<!tpu.dma_semaphore, #tpu.memory_space<semaphore_mem>>)
    %dma_wait3A_181 = arith.constant 5200 : i32
    %dma_wait3A_182 = tpu.memref_slice %arg6[%dma_wait3A_181] : memref<16640xi32, #tpu.memory_space<vmem>> -> memref<1040xi32, #tpu.memory_space<vmem>>
    %dma_wait3A_183 = arith.constant 0 : i32
    %dma_wait3A_184 = arith.constant 0 : i32
    %dma_wait3A_185 = tpu.memref_slice %arg3[%dma_wait3A_183, %dma_wait3A_184] : memref<1000000x32xf32, #tpu.memory_space<hbm>> -> memref<1000000x32xf32, #tpu.memory_space<hbm>>
    tpu.wait_indirect_dma semaphore(%arg10 : memref<!tpu.dma_semaphore, #tpu.memory_space<semaphore_mem>>) src(%dma_wait3A_185 : memref<1000000x32xf32, #tpu.memory_space<hbm>>) dst(%arg8 : memref<1040x32xf32, #tpu.memory_space<vmem>>)
    %add3A_186 = arith.constant 5200 : i32
    %add3A_187 = arith.addi %mul3A_2, %add3A_186 : i32
    %dma_start3A_188 = arith.constant 0 : i32
    %dma_start3A_189 = tpu.memref_slice %arg4[%add3A_187, %dma_start3A_188] : memref<532480x32xf32, #tpu.memory_space<hbm>> -> memref<1040x32xf32, #tpu.memory_space<hbm>>
    %dma_start3A_190 = arith.constant 0 : i32
    %dma_start3A_191 = tpu.memref_slice %arg4[%add3A_187, %dma_start3A_190] : memref<532480x32xf32, #tpu.memory_space<hbm>> -> memref<1040x32xf32, #tpu.memory_space<hbm>>
    tpu.enqueue_dma source(%arg8 : memref<1040x32xf32, #tpu.memory_space<vmem>>) target(%dma_start3A_191 : memref<1040x32xf32, #tpu.memory_space<hbm>>) target_semaphore(%arg12 : memref<!tpu.dma_semaphore, #tpu.memory_space<semaphore_mem>>)
    %dma_wait3A_192 = arith.constant 0 : i32
    %dma_wait3A_193 = tpu.memref_slice %arg4[%add3A_187, %dma_wait3A_192] : memref<532480x32xf32, #tpu.memory_space<hbm>> -> memref<1040x32xf32, #tpu.memory_space<hbm>>
    %dma_wait3A_194 = arith.constant 0 : i32
    %dma_wait3A_195 = tpu.memref_slice %arg4[%add3A_187, %dma_wait3A_194] : memref<532480x32xf32, #tpu.memory_space<hbm>> -> memref<1040x32xf32, #tpu.memory_space<hbm>>
    tpu.wait_dma2 semaphore(%arg12 : memref<!tpu.dma_semaphore, #tpu.memory_space<semaphore_mem>>) src(%arg8 : memref<1040x32xf32, #tpu.memory_space<vmem>>) dst(%dma_wait3A_195 : memref<1040x32xf32, #tpu.memory_space<hbm>>)
    %broadcast_in_dim3A_196 = arith.constant 14 : i32
    %broadcast_in_dim3A_197 = vector.broadcast %broadcast_in_dim3A_196 : i32 to vector<16xi32>
    %broadcast_in_dim3A_198 = arith.constant 0 : i32
    %broadcast_in_dim3A_199 = vector.broadcast %broadcast_in_dim3A_198 : i32 to vector<16xi32>
    %scan3A_200 = arith.constant 0 : i32
    %scan3A_201 = arith.constant 65 : i32
    %scan3A_202 = arith.addi %scan3A_200, %scan3A_201 : i32
    %scan3A_203 = arith.constant 1 : i32
    %scan3A_204:3 = scf.for %scan3A_481 = %scan3A_200 to %scan3A_202 step %scan3A_203 iter_args(%scan3A_482 = %broadcast_in_dim3A_197, %scan3A_483 = %broadcast_in_dim3A_199, %scan3A_484 = %iota3A) -> (vector<16xi32>, vector<16xi32>, vector<16xi32>)  : i32 {
      %gather3A = tpu.vector_load_idx %arg5[%scan3A_482, %scan3A_483, %scan3A_484] : memref<32x26x20xi32, #tpu.memory_space<vmem>>[vector<16xi32>, vector<16xi32>, vector<16xi32>], vector<16xi32>,
      %mul3A_485 = arith.constant 16 : i32
      %mul3A_486 = arith.muli %scan3A_481, %mul3A_485 : i32
      %add3A_487 = arith.constant 7280 : i32
      %add3A_488 = arith.addi %add3A_487, %mul3A_486 : i32
      %swap3A = arith.index_cast %add3A_488 : i32 to index
      %swap3A_489 = tpu.vector_load %arg6[%swap3A] {strides = array<i32>} : memref<16640xi32, #tpu.memory_space<vmem>>, vector<16xi32>,
      tpu.vector_store %arg6[%swap3A], %gather3A {strides = array<i32>} : memref<16640xi32, #tpu.memory_space<vmem>>, vector<16xi32>,
      %add3A_490 = arith.constant 16 : i32
      %add3A_491 = vector.broadcast %add3A_490 : i32 to vector<16xi32>
      %add3A_492 = arith.addi %scan3A_484, %add3A_491 : vector<16xi32>
      %ge3A = arith.constant 20 : i32
      %ge3A_493 = vector.broadcast %ge3A : i32 to vector<16xi32>
      %ge3A_494 = arith.cmpi sge, %add3A_492, %ge3A_493 : vector<16xi32>
      %sub3A = arith.constant 20 : i32
      %sub3A_495 = vector.broadcast %sub3A : i32 to vector<16xi32>
      %sub3A_496 = arith.subi %add3A_492, %sub3A_495 : vector<16xi32>
      %select_n3A = arith.select %ge3A_494, %sub3A_496, %add3A_492 : vector<16xi1>, vector<16xi32>
      %convert_element_type3A = arith.extui %ge3A_494 : vector<16xi1> to vector<16xi32>
      %add3A_497 = arith.addi %scan3A_483, %convert_element_type3A : vector<16xi32>
      %ge3A_498 = arith.constant 26 : i32
      %ge3A_499 = vector.broadcast %ge3A_498 : i32 to vector<16xi32>
      %ge3A_500 = arith.cmpi sge, %add3A_497, %ge3A_499 : vector<16xi32>
      %sub3A_501 = arith.constant 26 : i32
      %sub3A_502 = vector.broadcast %sub3A_501 : i32 to vector<16xi32>
      %sub3A_503 = arith.subi %add3A_497, %sub3A_502 : vector<16xi32>
      %select_n3A_504 = arith.select %ge3A_500, %sub3A_503, %add3A_497 : vector<16xi1>, vector<16xi32>
      %convert_element_type3A_505 = arith.extui %ge3A_500 : vector<16xi1> to vector<16xi32>
      %add3A_506 = arith.addi %scan3A_482, %convert_element_type3A_505 : vector<16xi32>
      scf.yield %add3A_506, %select_n3A_504, %select_n3A : vector<16xi32>, vector<16xi32>, vector<16xi32>
    }
    %scan3A_205 = arith.constant 65 : i32
    %dma_start3A_206 = arith.constant 7280 : i32
    %dma_start3A_207 = tpu.memref_slice %arg6[%dma_start3A_206] : memref<16640xi32, #tpu.memory_space<vmem>> -> memref<1040xi32, #tpu.memory_space<vmem>>
    %dma_start3A_208 = arith.constant 0 : i32
    %dma_start3A_209 = arith.constant 0 : i32
    %dma_start3A_210 = tpu.memref_slice %arg3[%dma_start3A_208, %dma_start3A_209] : memref<1000000x32xf32, #tpu.memory_space<hbm>> -> memref<1000000x32xf32, #tpu.memory_space<hbm>>
    tpu.enqueue_indirect_dma source(%dma_start3A_210 : memref<1000000x32xf32, #tpu.memory_space<hbm>>) target(%arg8 : memref<1040x32xf32, #tpu.memory_space<vmem>>) offsets(%dma_start3A_207 : memref<1040xi32, #tpu.memory_space<vmem>>) semaphore(%arg10 : memref<!tpu.dma_semaphore, #tpu.memory_space<semaphore_mem>>)
    %dma_wait3A_211 = arith.constant 6240 : i32
    %dma_wait3A_212 = tpu.memref_slice %arg6[%dma_wait3A_211] : memref<16640xi32, #tpu.memory_space<vmem>> -> memref<1040xi32, #tpu.memory_space<vmem>>
    %dma_wait3A_213 = arith.constant 0 : i32
    %dma_wait3A_214 = arith.constant 0 : i32
    %dma_wait3A_215 = tpu.memref_slice %arg3[%dma_wait3A_213, %dma_wait3A_214] : memref<1000000x32xf32, #tpu.memory_space<hbm>> -> memref<1000000x32xf32, #tpu.memory_space<hbm>>
    tpu.wait_indirect_dma semaphore(%arg9 : memref<!tpu.dma_semaphore, #tpu.memory_space<semaphore_mem>>) src(%dma_wait3A_215 : memref<1000000x32xf32, #tpu.memory_space<hbm>>) dst(%arg7 : memref<1040x32xf32, #tpu.memory_space<vmem>>)
    %add3A_216 = arith.constant 6240 : i32
    %add3A_217 = arith.addi %mul3A_2, %add3A_216 : i32
    %dma_start3A_218 = arith.constant 0 : i32
    %dma_start3A_219 = tpu.memref_slice %arg4[%add3A_217, %dma_start3A_218] : memref<532480x32xf32, #tpu.memory_space<hbm>> -> memref<1040x32xf32, #tpu.memory_space<hbm>>
    %dma_start3A_220 = arith.constant 0 : i32
    %dma_start3A_221 = tpu.memref_slice %arg4[%add3A_217, %dma_start3A_220] : memref<532480x32xf32, #tpu.memory_space<hbm>> -> memref<1040x32xf32, #tpu.memory_space<hbm>>
    tpu.enqueue_dma source(%arg7 : memref<1040x32xf32, #tpu.memory_space<vmem>>) target(%dma_start3A_221 : memref<1040x32xf32, #tpu.memory_space<hbm>>) target_semaphore(%arg11 : memref<!tpu.dma_semaphore, #tpu.memory_space<semaphore_mem>>)
    %dma_wait3A_222 = arith.constant 0 : i32
    %dma_wait3A_223 = tpu.memref_slice %arg4[%add3A_217, %dma_wait3A_222] : memref<532480x32xf32, #tpu.memory_space<hbm>> -> memref<1040x32xf32, #tpu.memory_space<hbm>>
    %dma_wait3A_224 = arith.constant 0 : i32
    %dma_wait3A_225 = tpu.memref_slice %arg4[%add3A_217, %dma_wait3A_224] : memref<532480x32xf32, #tpu.memory_space<hbm>> -> memref<1040x32xf32, #tpu.memory_space<hbm>>
    tpu.wait_dma2 semaphore(%arg11 : memref<!tpu.dma_semaphore, #tpu.memory_space<semaphore_mem>>) src(%arg7 : memref<1040x32xf32, #tpu.memory_space<vmem>>) dst(%dma_wait3A_225 : memref<1040x32xf32, #tpu.memory_space<hbm>>)
    %broadcast_in_dim3A_226 = arith.constant 16 : i32
    %broadcast_in_dim3A_227 = vector.broadcast %broadcast_in_dim3A_226 : i32 to vector<16xi32>
    %broadcast_in_dim3A_228 = arith.constant 0 : i32
    %broadcast_in_dim3A_229 = vector.broadcast %broadcast_in_dim3A_228 : i32 to vector<16xi32>
    %scan3A_230 = arith.constant 0 : i32
    %scan3A_231 = arith.constant 65 : i32
    %scan3A_232 = arith.addi %scan3A_230, %scan3A_231 : i32
    %scan3A_233 = arith.constant 1 : i32
    %scan3A_234:3 = scf.for %scan3A_481 = %scan3A_230 to %scan3A_232 step %scan3A_233 iter_args(%scan3A_482 = %broadcast_in_dim3A_227, %scan3A_483 = %broadcast_in_dim3A_229, %scan3A_484 = %iota3A) -> (vector<16xi32>, vector<16xi32>, vector<16xi32>)  : i32 {
      %gather3A = tpu.vector_load_idx %arg5[%scan3A_482, %scan3A_483, %scan3A_484] : memref<32x26x20xi32, #tpu.memory_space<vmem>>[vector<16xi32>, vector<16xi32>, vector<16xi32>], vector<16xi32>,
      %mul3A_485 = arith.constant 16 : i32
      %mul3A_486 = arith.muli %scan3A_481, %mul3A_485 : i32
      %add3A_487 = arith.constant 8320 : i32
      %add3A_488 = arith.addi %add3A_487, %mul3A_486 : i32
      %swap3A = arith.index_cast %add3A_488 : i32 to index
      %swap3A_489 = tpu.vector_load %arg6[%swap3A] {strides = array<i32>} : memref<16640xi32, #tpu.memory_space<vmem>>, vector<16xi32>,
      tpu.vector_store %arg6[%swap3A], %gather3A {strides = array<i32>} : memref<16640xi32, #tpu.memory_space<vmem>>, vector<16xi32>,
      %add3A_490 = arith.constant 16 : i32
      %add3A_491 = vector.broadcast %add3A_490 : i32 to vector<16xi32>
      %add3A_492 = arith.addi %scan3A_484, %add3A_491 : vector<16xi32>
      %ge3A = arith.constant 20 : i32
      %ge3A_493 = vector.broadcast %ge3A : i32 to vector<16xi32>
      %ge3A_494 = arith.cmpi sge, %add3A_492, %ge3A_493 : vector<16xi32>
      %sub3A = arith.constant 20 : i32
      %sub3A_495 = vector.broadcast %sub3A : i32 to vector<16xi32>
      %sub3A_496 = arith.subi %add3A_492, %sub3A_495 : vector<16xi32>
      %select_n3A = arith.select %ge3A_494, %sub3A_496, %add3A_492 : vector<16xi1>, vector<16xi32>
      %convert_element_type3A = arith.extui %ge3A_494 : vector<16xi1> to vector<16xi32>
      %add3A_497 = arith.addi %scan3A_483, %convert_element_type3A : vector<16xi32>
      %ge3A_498 = arith.constant 26 : i32
      %ge3A_499 = vector.broadcast %ge3A_498 : i32 to vector<16xi32>
      %ge3A_500 = arith.cmpi sge, %add3A_497, %ge3A_499 : vector<16xi32>
      %sub3A_501 = arith.constant 26 : i32
      %sub3A_502 = vector.broadcast %sub3A_501 : i32 to vector<16xi32>
      %sub3A_503 = arith.subi %add3A_497, %sub3A_502 : vector<16xi32>
      %select_n3A_504 = arith.select %ge3A_500, %sub3A_503, %add3A_497 : vector<16xi1>, vector<16xi32>
      %convert_element_type3A_505 = arith.extui %ge3A_500 : vector<16xi1> to vector<16xi32>
      %add3A_506 = arith.addi %scan3A_482, %convert_element_type3A_505 : vector<16xi32>
      scf.yield %add3A_506, %select_n3A_504, %select_n3A : vector<16xi32>, vector<16xi32>, vector<16xi32>
    }
    %scan3A_235 = arith.constant 65 : i32
    %dma_start3A_236 = arith.constant 8320 : i32
    %dma_start3A_237 = tpu.memref_slice %arg6[%dma_start3A_236] : memref<16640xi32, #tpu.memory_space<vmem>> -> memref<1040xi32, #tpu.memory_space<vmem>>
    %dma_start3A_238 = arith.constant 0 : i32
    %dma_start3A_239 = arith.constant 0 : i32
    %dma_start3A_240 = tpu.memref_slice %arg3[%dma_start3A_238, %dma_start3A_239] : memref<1000000x32xf32, #tpu.memory_space<hbm>> -> memref<1000000x32xf32, #tpu.memory_space<hbm>>
    tpu.enqueue_indirect_dma source(%dma_start3A_240 : memref<1000000x32xf32, #tpu.memory_space<hbm>>) target(%arg7 : memref<1040x32xf32, #tpu.memory_space<vmem>>) offsets(%dma_start3A_237 : memref<1040xi32, #tpu.memory_space<vmem>>) semaphore(%arg9 : memref<!tpu.dma_semaphore, #tpu.memory_space<semaphore_mem>>)
    %dma_wait3A_241 = arith.constant 7280 : i32
    %dma_wait3A_242 = tpu.memref_slice %arg6[%dma_wait3A_241] : memref<16640xi32, #tpu.memory_space<vmem>> -> memref<1040xi32, #tpu.memory_space<vmem>>
    %dma_wait3A_243 = arith.constant 0 : i32
    %dma_wait3A_244 = arith.constant 0 : i32
    %dma_wait3A_245 = tpu.memref_slice %arg3[%dma_wait3A_243, %dma_wait3A_244] : memref<1000000x32xf32, #tpu.memory_space<hbm>> -> memref<1000000x32xf32, #tpu.memory_space<hbm>>
    tpu.wait_indirect_dma semaphore(%arg10 : memref<!tpu.dma_semaphore, #tpu.memory_space<semaphore_mem>>) src(%dma_wait3A_245 : memref<1000000x32xf32, #tpu.memory_space<hbm>>) dst(%arg8 : memref<1040x32xf32, #tpu.memory_space<vmem>>)
    %add3A_246 = arith.constant 7280 : i32
    %add3A_247 = arith.addi %mul3A_2, %add3A_246 : i32
    %dma_start3A_248 = arith.constant 0 : i32
    %dma_start3A_249 = tpu.memref_slice %arg4[%add3A_247, %dma_start3A_248] : memref<532480x32xf32, #tpu.memory_space<hbm>> -> memref<1040x32xf32, #tpu.memory_space<hbm>>
    %dma_start3A_250 = arith.constant 0 : i32
    %dma_start3A_251 = tpu.memref_slice %arg4[%add3A_247, %dma_start3A_250] : memref<532480x32xf32, #tpu.memory_space<hbm>> -> memref<1040x32xf32, #tpu.memory_space<hbm>>
    tpu.enqueue_dma source(%arg8 : memref<1040x32xf32, #tpu.memory_space<vmem>>) target(%dma_start3A_251 : memref<1040x32xf32, #tpu.memory_space<hbm>>) target_semaphore(%arg12 : memref<!tpu.dma_semaphore, #tpu.memory_space<semaphore_mem>>)
    %dma_wait3A_252 = arith.constant 0 : i32
    %dma_wait3A_253 = tpu.memref_slice %arg4[%add3A_247, %dma_wait3A_252] : memref<532480x32xf32, #tpu.memory_space<hbm>> -> memref<1040x32xf32, #tpu.memory_space<hbm>>
    %dma_wait3A_254 = arith.constant 0 : i32
    %dma_wait3A_255 = tpu.memref_slice %arg4[%add3A_247, %dma_wait3A_254] : memref<532480x32xf32, #tpu.memory_space<hbm>> -> memref<1040x32xf32, #tpu.memory_space<hbm>>
    tpu.wait_dma2 semaphore(%arg12 : memref<!tpu.dma_semaphore, #tpu.memory_space<semaphore_mem>>) src(%arg8 : memref<1040x32xf32, #tpu.memory_space<vmem>>) dst(%dma_wait3A_255 : memref<1040x32xf32, #tpu.memory_space<hbm>>)
    %broadcast_in_dim3A_256 = arith.constant 18 : i32
    %broadcast_in_dim3A_257 = vector.broadcast %broadcast_in_dim3A_256 : i32 to vector<16xi32>
    %broadcast_in_dim3A_258 = arith.constant 0 : i32
    %broadcast_in_dim3A_259 = vector.broadcast %broadcast_in_dim3A_258 : i32 to vector<16xi32>
    %scan3A_260 = arith.constant 0 : i32
    %scan3A_261 = arith.constant 65 : i32
    %scan3A_262 = arith.addi %scan3A_260, %scan3A_261 : i32
    %scan3A_263 = arith.constant 1 : i32
    %scan3A_264:3 = scf.for %scan3A_481 = %scan3A_260 to %scan3A_262 step %scan3A_263 iter_args(%scan3A_482 = %broadcast_in_dim3A_257, %scan3A_483 = %broadcast_in_dim3A_259, %scan3A_484 = %iota3A) -> (vector<16xi32>, vector<16xi32>, vector<16xi32>)  : i32 {
      %gather3A = tpu.vector_load_idx %arg5[%scan3A_482, %scan3A_483, %scan3A_484] : memref<32x26x20xi32, #tpu.memory_space<vmem>>[vector<16xi32>, vector<16xi32>, vector<16xi32>], vector<16xi32>,
      %mul3A_485 = arith.constant 16 : i32
      %mul3A_486 = arith.muli %scan3A_481, %mul3A_485 : i32
      %add3A_487 = arith.constant 9360 : i32
      %add3A_488 = arith.addi %add3A_487, %mul3A_486 : i32
      %swap3A = arith.index_cast %add3A_488 : i32 to index
      %swap3A_489 = tpu.vector_load %arg6[%swap3A] {strides = array<i32>} : memref<16640xi32, #tpu.memory_space<vmem>>, vector<16xi32>,
      tpu.vector_store %arg6[%swap3A], %gather3A {strides = array<i32>} : memref<16640xi32, #tpu.memory_space<vmem>>, vector<16xi32>,
      %add3A_490 = arith.constant 16 : i32
      %add3A_491 = vector.broadcast %add3A_490 : i32 to vector<16xi32>
      %add3A_492 = arith.addi %scan3A_484, %add3A_491 : vector<16xi32>
      %ge3A = arith.constant 20 : i32
      %ge3A_493 = vector.broadcast %ge3A : i32 to vector<16xi32>
      %ge3A_494 = arith.cmpi sge, %add3A_492, %ge3A_493 : vector<16xi32>
      %sub3A = arith.constant 20 : i32
      %sub3A_495 = vector.broadcast %sub3A : i32 to vector<16xi32>
      %sub3A_496 = arith.subi %add3A_492, %sub3A_495 : vector<16xi32>
      %select_n3A = arith.select %ge3A_494, %sub3A_496, %add3A_492 : vector<16xi1>, vector<16xi32>
      %convert_element_type3A = arith.extui %ge3A_494 : vector<16xi1> to vector<16xi32>
      %add3A_497 = arith.addi %scan3A_483, %convert_element_type3A : vector<16xi32>
      %ge3A_498 = arith.constant 26 : i32
      %ge3A_499 = vector.broadcast %ge3A_498 : i32 to vector<16xi32>
      %ge3A_500 = arith.cmpi sge, %add3A_497, %ge3A_499 : vector<16xi32>
      %sub3A_501 = arith.constant 26 : i32
      %sub3A_502 = vector.broadcast %sub3A_501 : i32 to vector<16xi32>
      %sub3A_503 = arith.subi %add3A_497, %sub3A_502 : vector<16xi32>
      %select_n3A_504 = arith.select %ge3A_500, %sub3A_503, %add3A_497 : vector<16xi1>, vector<16xi32>
      %convert_element_type3A_505 = arith.extui %ge3A_500 : vector<16xi1> to vector<16xi32>
      %add3A_506 = arith.addi %scan3A_482, %convert_element_type3A_505 : vector<16xi32>
      scf.yield %add3A_506, %select_n3A_504, %select_n3A : vector<16xi32>, vector<16xi32>, vector<16xi32>
    }
    %scan3A_265 = arith.constant 65 : i32
    %dma_start3A_266 = arith.constant 9360 : i32
    %dma_start3A_267 = tpu.memref_slice %arg6[%dma_start3A_266] : memref<16640xi32, #tpu.memory_space<vmem>> -> memref<1040xi32, #tpu.memory_space<vmem>>
    %dma_start3A_268 = arith.constant 0 : i32
    %dma_start3A_269 = arith.constant 0 : i32
    %dma_start3A_270 = tpu.memref_slice %arg3[%dma_start3A_268, %dma_start3A_269] : memref<1000000x32xf32, #tpu.memory_space<hbm>> -> memref<1000000x32xf32, #tpu.memory_space<hbm>>
    tpu.enqueue_indirect_dma source(%dma_start3A_270 : memref<1000000x32xf32, #tpu.memory_space<hbm>>) target(%arg8 : memref<1040x32xf32, #tpu.memory_space<vmem>>) offsets(%dma_start3A_267 : memref<1040xi32, #tpu.memory_space<vmem>>) semaphore(%arg10 : memref<!tpu.dma_semaphore, #tpu.memory_space<semaphore_mem>>)
    %dma_wait3A_271 = arith.constant 8320 : i32
    %dma_wait3A_272 = tpu.memref_slice %arg6[%dma_wait3A_271] : memref<16640xi32, #tpu.memory_space<vmem>> -> memref<1040xi32, #tpu.memory_space<vmem>>
    %dma_wait3A_273 = arith.constant 0 : i32
    %dma_wait3A_274 = arith.constant 0 : i32
    %dma_wait3A_275 = tpu.memref_slice %arg3[%dma_wait3A_273, %dma_wait3A_274] : memref<1000000x32xf32, #tpu.memory_space<hbm>> -> memref<1000000x32xf32, #tpu.memory_space<hbm>>
    tpu.wait_indirect_dma semaphore(%arg9 : memref<!tpu.dma_semaphore, #tpu.memory_space<semaphore_mem>>) src(%dma_wait3A_275 : memref<1000000x32xf32, #tpu.memory_space<hbm>>) dst(%arg7 : memref<1040x32xf32, #tpu.memory_space<vmem>>)
    %add3A_276 = arith.constant 8320 : i32
    %add3A_277 = arith.addi %mul3A_2, %add3A_276 : i32
    %dma_start3A_278 = arith.constant 0 : i32
    %dma_start3A_279 = tpu.memref_slice %arg4[%add3A_277, %dma_start3A_278] : memref<532480x32xf32, #tpu.memory_space<hbm>> -> memref<1040x32xf32, #tpu.memory_space<hbm>>
    %dma_start3A_280 = arith.constant 0 : i32
    %dma_start3A_281 = tpu.memref_slice %arg4[%add3A_277, %dma_start3A_280] : memref<532480x32xf32, #tpu.memory_space<hbm>> -> memref<1040x32xf32, #tpu.memory_space<hbm>>
    tpu.enqueue_dma source(%arg7 : memref<1040x32xf32, #tpu.memory_space<vmem>>) target(%dma_start3A_281 : memref<1040x32xf32, #tpu.memory_space<hbm>>) target_semaphore(%arg11 : memref<!tpu.dma_semaphore, #tpu.memory_space<semaphore_mem>>)
    %dma_wait3A_282 = arith.constant 0 : i32
    %dma_wait3A_283 = tpu.memref_slice %arg4[%add3A_277, %dma_wait3A_282] : memref<532480x32xf32, #tpu.memory_space<hbm>> -> memref<1040x32xf32, #tpu.memory_space<hbm>>
    %dma_wait3A_284 = arith.constant 0 : i32
    %dma_wait3A_285 = tpu.memref_slice %arg4[%add3A_277, %dma_wait3A_284] : memref<532480x32xf32, #tpu.memory_space<hbm>> -> memref<1040x32xf32, #tpu.memory_space<hbm>>
    tpu.wait_dma2 semaphore(%arg11 : memref<!tpu.dma_semaphore, #tpu.memory_space<semaphore_mem>>) src(%arg7 : memref<1040x32xf32, #tpu.memory_space<vmem>>) dst(%dma_wait3A_285 : memref<1040x32xf32, #tpu.memory_space<hbm>>)
    %broadcast_in_dim3A_286 = arith.constant 20 : i32
    %broadcast_in_dim3A_287 = vector.broadcast %broadcast_in_dim3A_286 : i32 to vector<16xi32>
    %broadcast_in_dim3A_288 = arith.constant 0 : i32
    %broadcast_in_dim3A_289 = vector.broadcast %broadcast_in_dim3A_288 : i32 to vector<16xi32>
    %scan3A_290 = arith.constant 0 : i32
    %scan3A_291 = arith.constant 65 : i32
    %scan3A_292 = arith.addi %scan3A_290, %scan3A_291 : i32
    %scan3A_293 = arith.constant 1 : i32
    %scan3A_294:3 = scf.for %scan3A_481 = %scan3A_290 to %scan3A_292 step %scan3A_293 iter_args(%scan3A_482 = %broadcast_in_dim3A_287, %scan3A_483 = %broadcast_in_dim3A_289, %scan3A_484 = %iota3A) -> (vector<16xi32>, vector<16xi32>, vector<16xi32>)  : i32 {
      %gather3A = tpu.vector_load_idx %arg5[%scan3A_482, %scan3A_483, %scan3A_484] : memref<32x26x20xi32, #tpu.memory_space<vmem>>[vector<16xi32>, vector<16xi32>, vector<16xi32>], vector<16xi32>,
      %mul3A_485 = arith.constant 16 : i32
      %mul3A_486 = arith.muli %scan3A_481, %mul3A_485 : i32
      %add3A_487 = arith.constant 10400 : i32
      %add3A_488 = arith.addi %add3A_487, %mul3A_486 : i32
      %swap3A = arith.index_cast %add3A_488 : i32 to index
      %swap3A_489 = tpu.vector_load %arg6[%swap3A] {strides = array<i32>} : memref<16640xi32, #tpu.memory_space<vmem>>, vector<16xi32>,
      tpu.vector_store %arg6[%swap3A], %gather3A {strides = array<i32>} : memref<16640xi32, #tpu.memory_space<vmem>>, vector<16xi32>,
      %add3A_490 = arith.constant 16 : i32
      %add3A_491 = vector.broadcast %add3A_490 : i32 to vector<16xi32>
      %add3A_492 = arith.addi %scan3A_484, %add3A_491 : vector<16xi32>
      %ge3A = arith.constant 20 : i32
      %ge3A_493 = vector.broadcast %ge3A : i32 to vector<16xi32>
      %ge3A_494 = arith.cmpi sge, %add3A_492, %ge3A_493 : vector<16xi32>
      %sub3A = arith.constant 20 : i32
      %sub3A_495 = vector.broadcast %sub3A : i32 to vector<16xi32>
      %sub3A_496 = arith.subi %add3A_492, %sub3A_495 : vector<16xi32>
      %select_n3A = arith.select %ge3A_494, %sub3A_496, %add3A_492 : vector<16xi1>, vector<16xi32>
      %convert_element_type3A = arith.extui %ge3A_494 : vector<16xi1> to vector<16xi32>
      %add3A_497 = arith.addi %scan3A_483, %convert_element_type3A : vector<16xi32>
      %ge3A_498 = arith.constant 26 : i32
      %ge3A_499 = vector.broadcast %ge3A_498 : i32 to vector<16xi32>
      %ge3A_500 = arith.cmpi sge, %add3A_497, %ge3A_499 : vector<16xi32>
      %sub3A_501 = arith.constant 26 : i32
      %sub3A_502 = vector.broadcast %sub3A_501 : i32 to vector<16xi32>
      %sub3A_503 = arith.subi %add3A_497, %sub3A_502 : vector<16xi32>
      %select_n3A_504 = arith.select %ge3A_500, %sub3A_503, %add3A_497 : vector<16xi1>, vector<16xi32>
      %convert_element_type3A_505 = arith.extui %ge3A_500 : vector<16xi1> to vector<16xi32>
      %add3A_506 = arith.addi %scan3A_482, %convert_element_type3A_505 : vector<16xi32>
      scf.yield %add3A_506, %select_n3A_504, %select_n3A : vector<16xi32>, vector<16xi32>, vector<16xi32>
    }
    %scan3A_295 = arith.constant 65 : i32
    %dma_start3A_296 = arith.constant 10400 : i32
    %dma_start3A_297 = tpu.memref_slice %arg6[%dma_start3A_296] : memref<16640xi32, #tpu.memory_space<vmem>> -> memref<1040xi32, #tpu.memory_space<vmem>>
    %dma_start3A_298 = arith.constant 0 : i32
    %dma_start3A_299 = arith.constant 0 : i32
    %dma_start3A_300 = tpu.memref_slice %arg3[%dma_start3A_298, %dma_start3A_299] : memref<1000000x32xf32, #tpu.memory_space<hbm>> -> memref<1000000x32xf32, #tpu.memory_space<hbm>>
    tpu.enqueue_indirect_dma source(%dma_start3A_300 : memref<1000000x32xf32, #tpu.memory_space<hbm>>) target(%arg7 : memref<1040x32xf32, #tpu.memory_space<vmem>>) offsets(%dma_start3A_297 : memref<1040xi32, #tpu.memory_space<vmem>>) semaphore(%arg9 : memref<!tpu.dma_semaphore, #tpu.memory_space<semaphore_mem>>)
    %dma_wait3A_301 = arith.constant 9360 : i32
    %dma_wait3A_302 = tpu.memref_slice %arg6[%dma_wait3A_301] : memref<16640xi32, #tpu.memory_space<vmem>> -> memref<1040xi32, #tpu.memory_space<vmem>>
    %dma_wait3A_303 = arith.constant 0 : i32
    %dma_wait3A_304 = arith.constant 0 : i32
    %dma_wait3A_305 = tpu.memref_slice %arg3[%dma_wait3A_303, %dma_wait3A_304] : memref<1000000x32xf32, #tpu.memory_space<hbm>> -> memref<1000000x32xf32, #tpu.memory_space<hbm>>
    tpu.wait_indirect_dma semaphore(%arg10 : memref<!tpu.dma_semaphore, #tpu.memory_space<semaphore_mem>>) src(%dma_wait3A_305 : memref<1000000x32xf32, #tpu.memory_space<hbm>>) dst(%arg8 : memref<1040x32xf32, #tpu.memory_space<vmem>>)
    %add3A_306 = arith.constant 9360 : i32
    %add3A_307 = arith.addi %mul3A_2, %add3A_306 : i32
    %dma_start3A_308 = arith.constant 0 : i32
    %dma_start3A_309 = tpu.memref_slice %arg4[%add3A_307, %dma_start3A_308] : memref<532480x32xf32, #tpu.memory_space<hbm>> -> memref<1040x32xf32, #tpu.memory_space<hbm>>
    %dma_start3A_310 = arith.constant 0 : i32
    %dma_start3A_311 = tpu.memref_slice %arg4[%add3A_307, %dma_start3A_310] : memref<532480x32xf32, #tpu.memory_space<hbm>> -> memref<1040x32xf32, #tpu.memory_space<hbm>>
    tpu.enqueue_dma source(%arg8 : memref<1040x32xf32, #tpu.memory_space<vmem>>) target(%dma_start3A_311 : memref<1040x32xf32, #tpu.memory_space<hbm>>) target_semaphore(%arg12 : memref<!tpu.dma_semaphore, #tpu.memory_space<semaphore_mem>>)
    %dma_wait3A_312 = arith.constant 0 : i32
    %dma_wait3A_313 = tpu.memref_slice %arg4[%add3A_307, %dma_wait3A_312] : memref<532480x32xf32, #tpu.memory_space<hbm>> -> memref<1040x32xf32, #tpu.memory_space<hbm>>
    %dma_wait3A_314 = arith.constant 0 : i32
    %dma_wait3A_315 = tpu.memref_slice %arg4[%add3A_307, %dma_wait3A_314] : memref<532480x32xf32, #tpu.memory_space<hbm>> -> memref<1040x32xf32, #tpu.memory_space<hbm>>
    tpu.wait_dma2 semaphore(%arg12 : memref<!tpu.dma_semaphore, #tpu.memory_space<semaphore_mem>>) src(%arg8 : memref<1040x32xf32, #tpu.memory_space<vmem>>) dst(%dma_wait3A_315 : memref<1040x32xf32, #tpu.memory_space<hbm>>)
    %broadcast_in_dim3A_316 = arith.constant 22 : i32
    %broadcast_in_dim3A_317 = vector.broadcast %broadcast_in_dim3A_316 : i32 to vector<16xi32>
    %broadcast_in_dim3A_318 = arith.constant 0 : i32
    %broadcast_in_dim3A_319 = vector.broadcast %broadcast_in_dim3A_318 : i32 to vector<16xi32>
    %scan3A_320 = arith.constant 0 : i32
    %scan3A_321 = arith.constant 65 : i32
    %scan3A_322 = arith.addi %scan3A_320, %scan3A_321 : i32
    %scan3A_323 = arith.constant 1 : i32
    %scan3A_324:3 = scf.for %scan3A_481 = %scan3A_320 to %scan3A_322 step %scan3A_323 iter_args(%scan3A_482 = %broadcast_in_dim3A_317, %scan3A_483 = %broadcast_in_dim3A_319, %scan3A_484 = %iota3A) -> (vector<16xi32>, vector<16xi32>, vector<16xi32>)  : i32 {
      %gather3A = tpu.vector_load_idx %arg5[%scan3A_482, %scan3A_483, %scan3A_484] : memref<32x26x20xi32, #tpu.memory_space<vmem>>[vector<16xi32>, vector<16xi32>, vector<16xi32>], vector<16xi32>,
      %mul3A_485 = arith.constant 16 : i32
      %mul3A_486 = arith.muli %scan3A_481, %mul3A_485 : i32
      %add3A_487 = arith.constant 11440 : i32
      %add3A_488 = arith.addi %add3A_487, %mul3A_486 : i32
      %swap3A = arith.index_cast %add3A_488 : i32 to index
      %swap3A_489 = tpu.vector_load %arg6[%swap3A] {strides = array<i32>} : memref<16640xi32, #tpu.memory_space<vmem>>, vector<16xi32>,
      tpu.vector_store %arg6[%swap3A], %gather3A {strides = array<i32>} : memref<16640xi32, #tpu.memory_space<vmem>>, vector<16xi32>,
      %add3A_490 = arith.constant 16 : i32
      %add3A_491 = vector.broadcast %add3A_490 : i32 to vector<16xi32>
      %add3A_492 = arith.addi %scan3A_484, %add3A_491 : vector<16xi32>
      %ge3A = arith.constant 20 : i32
      %ge3A_493 = vector.broadcast %ge3A : i32 to vector<16xi32>
      %ge3A_494 = arith.cmpi sge, %add3A_492, %ge3A_493 : vector<16xi32>
      %sub3A = arith.constant 20 : i32
      %sub3A_495 = vector.broadcast %sub3A : i32 to vector<16xi32>
      %sub3A_496 = arith.subi %add3A_492, %sub3A_495 : vector<16xi32>
      %select_n3A = arith.select %ge3A_494, %sub3A_496, %add3A_492 : vector<16xi1>, vector<16xi32>
      %convert_element_type3A = arith.extui %ge3A_494 : vector<16xi1> to vector<16xi32>
      %add3A_497 = arith.addi %scan3A_483, %convert_element_type3A : vector<16xi32>
      %ge3A_498 = arith.constant 26 : i32
      %ge3A_499 = vector.broadcast %ge3A_498 : i32 to vector<16xi32>
      %ge3A_500 = arith.cmpi sge, %add3A_497, %ge3A_499 : vector<16xi32>
      %sub3A_501 = arith.constant 26 : i32
      %sub3A_502 = vector.broadcast %sub3A_501 : i32 to vector<16xi32>
      %sub3A_503 = arith.subi %add3A_497, %sub3A_502 : vector<16xi32>
      %select_n3A_504 = arith.select %ge3A_500, %sub3A_503, %add3A_497 : vector<16xi1>, vector<16xi32>
      %convert_element_type3A_505 = arith.extui %ge3A_500 : vector<16xi1> to vector<16xi32>
      %add3A_506 = arith.addi %scan3A_482, %convert_element_type3A_505 : vector<16xi32>
      scf.yield %add3A_506, %select_n3A_504, %select_n3A : vector<16xi32>, vector<16xi32>, vector<16xi32>
    }
    %scan3A_325 = arith.constant 65 : i32
    %dma_start3A_326 = arith.constant 11440 : i32
    %dma_start3A_327 = tpu.memref_slice %arg6[%dma_start3A_326] : memref<16640xi32, #tpu.memory_space<vmem>> -> memref<1040xi32, #tpu.memory_space<vmem>>
    %dma_start3A_328 = arith.constant 0 : i32
    %dma_start3A_329 = arith.constant 0 : i32
    %dma_start3A_330 = tpu.memref_slice %arg3[%dma_start3A_328, %dma_start3A_329] : memref<1000000x32xf32, #tpu.memory_space<hbm>> -> memref<1000000x32xf32, #tpu.memory_space<hbm>>
    tpu.enqueue_indirect_dma source(%dma_start3A_330 : memref<1000000x32xf32, #tpu.memory_space<hbm>>) target(%arg8 : memref<1040x32xf32, #tpu.memory_space<vmem>>) offsets(%dma_start3A_327 : memref<1040xi32, #tpu.memory_space<vmem>>) semaphore(%arg10 : memref<!tpu.dma_semaphore, #tpu.memory_space<semaphore_mem>>)
    %dma_wait3A_331 = arith.constant 10400 : i32
    %dma_wait3A_332 = tpu.memref_slice %arg6[%dma_wait3A_331] : memref<16640xi32, #tpu.memory_space<vmem>> -> memref<1040xi32, #tpu.memory_space<vmem>>
    %dma_wait3A_333 = arith.constant 0 : i32
    %dma_wait3A_334 = arith.constant 0 : i32
    %dma_wait3A_335 = tpu.memref_slice %arg3[%dma_wait3A_333, %dma_wait3A_334] : memref<1000000x32xf32, #tpu.memory_space<hbm>> -> memref<1000000x32xf32, #tpu.memory_space<hbm>>
    tpu.wait_indirect_dma semaphore(%arg9 : memref<!tpu.dma_semaphore, #tpu.memory_space<semaphore_mem>>) src(%dma_wait3A_335 : memref<1000000x32xf32, #tpu.memory_space<hbm>>) dst(%arg7 : memref<1040x32xf32, #tpu.memory_space<vmem>>)
    %add3A_336 = arith.constant 10400 : i32
    %add3A_337 = arith.addi %mul3A_2, %add3A_336 : i32
    %dma_start3A_338 = arith.constant 0 : i32
    %dma_start3A_339 = tpu.memref_slice %arg4[%add3A_337, %dma_start3A_338] : memref<532480x32xf32, #tpu.memory_space<hbm>> -> memref<1040x32xf32, #tpu.memory_space<hbm>>
    %dma_start3A_340 = arith.constant 0 : i32
    %dma_start3A_341 = tpu.memref_slice %arg4[%add3A_337, %dma_start3A_340] : memref<532480x32xf32, #tpu.memory_space<hbm>> -> memref<1040x32xf32, #tpu.memory_space<hbm>>
    tpu.enqueue_dma source(%arg7 : memref<1040x32xf32, #tpu.memory_space<vmem>>) target(%dma_start3A_341 : memref<1040x32xf32, #tpu.memory_space<hbm>>) target_semaphore(%arg11 : memref<!tpu.dma_semaphore, #tpu.memory_space<semaphore_mem>>)
    %dma_wait3A_342 = arith.constant 0 : i32
    %dma_wait3A_343 = tpu.memref_slice %arg4[%add3A_337, %dma_wait3A_342] : memref<532480x32xf32, #tpu.memory_space<hbm>> -> memref<1040x32xf32, #tpu.memory_space<hbm>>
    %dma_wait3A_344 = arith.constant 0 : i32
    %dma_wait3A_345 = tpu.memref_slice %arg4[%add3A_337, %dma_wait3A_344] : memref<532480x32xf32, #tpu.memory_space<hbm>> -> memref<1040x32xf32, #tpu.memory_space<hbm>>
    tpu.wait_dma2 semaphore(%arg11 : memref<!tpu.dma_semaphore, #tpu.memory_space<semaphore_mem>>) src(%arg7 : memref<1040x32xf32, #tpu.memory_space<vmem>>) dst(%dma_wait3A_345 : memref<1040x32xf32, #tpu.memory_space<hbm>>)
    %broadcast_in_dim3A_346 = arith.constant 24 : i32
    %broadcast_in_dim3A_347 = vector.broadcast %broadcast_in_dim3A_346 : i32 to vector<16xi32>
    %broadcast_in_dim3A_348 = arith.constant 0 : i32
    %broadcast_in_dim3A_349 = vector.broadcast %broadcast_in_dim3A_348 : i32 to vector<16xi32>
    %scan3A_350 = arith.constant 0 : i32
    %scan3A_351 = arith.constant 65 : i32
    %scan3A_352 = arith.addi %scan3A_350, %scan3A_351 : i32
    %scan3A_353 = arith.constant 1 : i32
    %scan3A_354:3 = scf.for %scan3A_481 = %scan3A_350 to %scan3A_352 step %scan3A_353 iter_args(%scan3A_482 = %broadcast_in_dim3A_347, %scan3A_483 = %broadcast_in_dim3A_349, %scan3A_484 = %iota3A) -> (vector<16xi32>, vector<16xi32>, vector<16xi32>)  : i32 {
      %gather3A = tpu.vector_load_idx %arg5[%scan3A_482, %scan3A_483, %scan3A_484] : memref<32x26x20xi32, #tpu.memory_space<vmem>>[vector<16xi32>, vector<16xi32>, vector<16xi32>], vector<16xi32>,
      %mul3A_485 = arith.constant 16 : i32
      %mul3A_486 = arith.muli %scan3A_481, %mul3A_485 : i32
      %add3A_487 = arith.constant 12480 : i32
      %add3A_488 = arith.addi %add3A_487, %mul3A_486 : i32
      %swap3A = arith.index_cast %add3A_488 : i32 to index
      %swap3A_489 = tpu.vector_load %arg6[%swap3A] {strides = array<i32>} : memref<16640xi32, #tpu.memory_space<vmem>>, vector<16xi32>,
      tpu.vector_store %arg6[%swap3A], %gather3A {strides = array<i32>} : memref<16640xi32, #tpu.memory_space<vmem>>, vector<16xi32>,
      %add3A_490 = arith.constant 16 : i32
      %add3A_491 = vector.broadcast %add3A_490 : i32 to vector<16xi32>
      %add3A_492 = arith.addi %scan3A_484, %add3A_491 : vector<16xi32>
      %ge3A = arith.constant 20 : i32
      %ge3A_493 = vector.broadcast %ge3A : i32 to vector<16xi32>
      %ge3A_494 = arith.cmpi sge, %add3A_492, %ge3A_493 : vector<16xi32>
      %sub3A = arith.constant 20 : i32
      %sub3A_495 = vector.broadcast %sub3A : i32 to vector<16xi32>
      %sub3A_496 = arith.subi %add3A_492, %sub3A_495 : vector<16xi32>
      %select_n3A = arith.select %ge3A_494, %sub3A_496, %add3A_492 : vector<16xi1>, vector<16xi32>
      %convert_element_type3A = arith.extui %ge3A_494 : vector<16xi1> to vector<16xi32>
      %add3A_497 = arith.addi %scan3A_483, %convert_element_type3A : vector<16xi32>
      %ge3A_498 = arith.constant 26 : i32
      %ge3A_499 = vector.broadcast %ge3A_498 : i32 to vector<16xi32>
      %ge3A_500 = arith.cmpi sge, %add3A_497, %ge3A_499 : vector<16xi32>
      %sub3A_501 = arith.constant 26 : i32
      %sub3A_502 = vector.broadcast %sub3A_501 : i32 to vector<16xi32>
      %sub3A_503 = arith.subi %add3A_497, %sub3A_502 : vector<16xi32>
      %select_n3A_504 = arith.select %ge3A_500, %sub3A_503, %add3A_497 : vector<16xi1>, vector<16xi32>
      %convert_element_type3A_505 = arith.extui %ge3A_500 : vector<16xi1> to vector<16xi32>
      %add3A_506 = arith.addi %scan3A_482, %convert_element_type3A_505 : vector<16xi32>
      scf.yield %add3A_506, %select_n3A_504, %select_n3A : vector<16xi32>, vector<16xi32>, vector<16xi32>
    }
    %scan3A_355 = arith.constant 65 : i32
    %dma_start3A_356 = arith.constant 12480 : i32
    %dma_start3A_357 = tpu.memref_slice %arg6[%dma_start3A_356] : memref<16640xi32, #tpu.memory_space<vmem>> -> memref<1040xi32, #tpu.memory_space<vmem>>
    %dma_start3A_358 = arith.constant 0 : i32
    %dma_start3A_359 = arith.constant 0 : i32
    %dma_start3A_360 = tpu.memref_slice %arg3[%dma_start3A_358, %dma_start3A_359] : memref<1000000x32xf32, #tpu.memory_space<hbm>> -> memref<1000000x32xf32, #tpu.memory_space<hbm>>
    tpu.enqueue_indirect_dma source(%dma_start3A_360 : memref<1000000x32xf32, #tpu.memory_space<hbm>>) target(%arg7 : memref<1040x32xf32, #tpu.memory_space<vmem>>) offsets(%dma_start3A_357 : memref<1040xi32, #tpu.memory_space<vmem>>) semaphore(%arg9 : memref<!tpu.dma_semaphore, #tpu.memory_space<semaphore_mem>>)
    %dma_wait3A_361 = arith.constant 11440 : i32
    %dma_wait3A_362 = tpu.memref_slice %arg6[%dma_wait3A_361] : memref<16640xi32, #tpu.memory_space<vmem>> -> memref<1040xi32, #tpu.memory_space<vmem>>
    %dma_wait3A_363 = arith.constant 0 : i32
    %dma_wait3A_364 = arith.constant 0 : i32
    %dma_wait3A_365 = tpu.memref_slice %arg3[%dma_wait3A_363, %dma_wait3A_364] : memref<1000000x32xf32, #tpu.memory_space<hbm>> -> memref<1000000x32xf32, #tpu.memory_space<hbm>>
    tpu.wait_indirect_dma semaphore(%arg10 : memref<!tpu.dma_semaphore, #tpu.memory_space<semaphore_mem>>) src(%dma_wait3A_365 : memref<1000000x32xf32, #tpu.memory_space<hbm>>) dst(%arg8 : memref<1040x32xf32, #tpu.memory_space<vmem>>)
    %add3A_366 = arith.constant 11440 : i32
    %add3A_367 = arith.addi %mul3A_2, %add3A_366 : i32
    %dma_start3A_368 = arith.constant 0 : i32
    %dma_start3A_369 = tpu.memref_slice %arg4[%add3A_367, %dma_start3A_368] : memref<532480x32xf32, #tpu.memory_space<hbm>> -> memref<1040x32xf32, #tpu.memory_space<hbm>>
    %dma_start3A_370 = arith.constant 0 : i32
    %dma_start3A_371 = tpu.memref_slice %arg4[%add3A_367, %dma_start3A_370] : memref<532480x32xf32, #tpu.memory_space<hbm>> -> memref<1040x32xf32, #tpu.memory_space<hbm>>
    tpu.enqueue_dma source(%arg8 : memref<1040x32xf32, #tpu.memory_space<vmem>>) target(%dma_start3A_371 : memref<1040x32xf32, #tpu.memory_space<hbm>>) target_semaphore(%arg12 : memref<!tpu.dma_semaphore, #tpu.memory_space<semaphore_mem>>)
    %dma_wait3A_372 = arith.constant 0 : i32
    %dma_wait3A_373 = tpu.memref_slice %arg4[%add3A_367, %dma_wait3A_372] : memref<532480x32xf32, #tpu.memory_space<hbm>> -> memref<1040x32xf32, #tpu.memory_space<hbm>>
    %dma_wait3A_374 = arith.constant 0 : i32
    %dma_wait3A_375 = tpu.memref_slice %arg4[%add3A_367, %dma_wait3A_374] : memref<532480x32xf32, #tpu.memory_space<hbm>> -> memref<1040x32xf32, #tpu.memory_space<hbm>>
    tpu.wait_dma2 semaphore(%arg12 : memref<!tpu.dma_semaphore, #tpu.memory_space<semaphore_mem>>) src(%arg8 : memref<1040x32xf32, #tpu.memory_space<vmem>>) dst(%dma_wait3A_375 : memref<1040x32xf32, #tpu.memory_space<hbm>>)
    %broadcast_in_dim3A_376 = arith.constant 26 : i32
    %broadcast_in_dim3A_377 = vector.broadcast %broadcast_in_dim3A_376 : i32 to vector<16xi32>
    %broadcast_in_dim3A_378 = arith.constant 0 : i32
    %broadcast_in_dim3A_379 = vector.broadcast %broadcast_in_dim3A_378 : i32 to vector<16xi32>
    %scan3A_380 = arith.constant 0 : i32
    %scan3A_381 = arith.constant 65 : i32
    %scan3A_382 = arith.addi %scan3A_380, %scan3A_381 : i32
    %scan3A_383 = arith.constant 1 : i32
    %scan3A_384:3 = scf.for %scan3A_481 = %scan3A_380 to %scan3A_382 step %scan3A_383 iter_args(%scan3A_482 = %broadcast_in_dim3A_377, %scan3A_483 = %broadcast_in_dim3A_379, %scan3A_484 = %iota3A) -> (vector<16xi32>, vector<16xi32>, vector<16xi32>)  : i32 {
      %gather3A = tpu.vector_load_idx %arg5[%scan3A_482, %scan3A_483, %scan3A_484] : memref<32x26x20xi32, #tpu.memory_space<vmem>>[vector<16xi32>, vector<16xi32>, vector<16xi32>], vector<16xi32>,
      %mul3A_485 = arith.constant 16 : i32
      %mul3A_486 = arith.muli %scan3A_481, %mul3A_485 : i32
      %add3A_487 = arith.constant 13520 : i32
      %add3A_488 = arith.addi %add3A_487, %mul3A_486 : i32
      %swap3A = arith.index_cast %add3A_488 : i32 to index
      %swap3A_489 = tpu.vector_load %arg6[%swap3A] {strides = array<i32>} : memref<16640xi32, #tpu.memory_space<vmem>>, vector<16xi32>,
      tpu.vector_store %arg6[%swap3A], %gather3A {strides = array<i32>} : memref<16640xi32, #tpu.memory_space<vmem>>, vector<16xi32>,
      %add3A_490 = arith.constant 16 : i32
      %add3A_491 = vector.broadcast %add3A_490 : i32 to vector<16xi32>
      %add3A_492 = arith.addi %scan3A_484, %add3A_491 : vector<16xi32>
      %ge3A = arith.constant 20 : i32
      %ge3A_493 = vector.broadcast %ge3A : i32 to vector<16xi32>
      %ge3A_494 = arith.cmpi sge, %add3A_492, %ge3A_493 : vector<16xi32>
      %sub3A = arith.constant 20 : i32
      %sub3A_495 = vector.broadcast %sub3A : i32 to vector<16xi32>
      %sub3A_496 = arith.subi %add3A_492, %sub3A_495 : vector<16xi32>
      %select_n3A = arith.select %ge3A_494, %sub3A_496, %add3A_492 : vector<16xi1>, vector<16xi32>
      %convert_element_type3A = arith.extui %ge3A_494 : vector<16xi1> to vector<16xi32>
      %add3A_497 = arith.addi %scan3A_483, %convert_element_type3A : vector<16xi32>
      %ge3A_498 = arith.constant 26 : i32
      %ge3A_499 = vector.broadcast %ge3A_498 : i32 to vector<16xi32>
      %ge3A_500 = arith.cmpi sge, %add3A_497, %ge3A_499 : vector<16xi32>
      %sub3A_501 = arith.constant 26 : i32
      %sub3A_502 = vector.broadcast %sub3A_501 : i32 to vector<16xi32>
      %sub3A_503 = arith.subi %add3A_497, %sub3A_502 : vector<16xi32>
      %select_n3A_504 = arith.select %ge3A_500, %sub3A_503, %add3A_497 : vector<16xi1>, vector<16xi32>
      %convert_element_type3A_505 = arith.extui %ge3A_500 : vector<16xi1> to vector<16xi32>
      %add3A_506 = arith.addi %scan3A_482, %convert_element_type3A_505 : vector<16xi32>
      scf.yield %add3A_506, %select_n3A_504, %select_n3A : vector<16xi32>, vector<16xi32>, vector<16xi32>
    }
    %scan3A_385 = arith.constant 65 : i32
    %dma_start3A_386 = arith.constant 13520 : i32
    %dma_start3A_387 = tpu.memref_slice %arg6[%dma_start3A_386] : memref<16640xi32, #tpu.memory_space<vmem>> -> memref<1040xi32, #tpu.memory_space<vmem>>
    %dma_start3A_388 = arith.constant 0 : i32
    %dma_start3A_389 = arith.constant 0 : i32
    %dma_start3A_390 = tpu.memref_slice %arg3[%dma_start3A_388, %dma_start3A_389] : memref<1000000x32xf32, #tpu.memory_space<hbm>> -> memref<1000000x32xf32, #tpu.memory_space<hbm>>
    tpu.enqueue_indirect_dma source(%dma_start3A_390 : memref<1000000x32xf32, #tpu.memory_space<hbm>>) target(%arg8 : memref<1040x32xf32, #tpu.memory_space<vmem>>) offsets(%dma_start3A_387 : memref<1040xi32, #tpu.memory_space<vmem>>) semaphore(%arg10 : memref<!tpu.dma_semaphore, #tpu.memory_space<semaphore_mem>>)
    %dma_wait3A_391 = arith.constant 12480 : i32
    %dma_wait3A_392 = tpu.memref_slice %arg6[%dma_wait3A_391] : memref<16640xi32, #tpu.memory_space<vmem>> -> memref<1040xi32, #tpu.memory_space<vmem>>
    %dma_wait3A_393 = arith.constant 0 : i32
    %dma_wait3A_394 = arith.constant 0 : i32
    %dma_wait3A_395 = tpu.memref_slice %arg3[%dma_wait3A_393, %dma_wait3A_394] : memref<1000000x32xf32, #tpu.memory_space<hbm>> -> memref<1000000x32xf32, #tpu.memory_space<hbm>>
    tpu.wait_indirect_dma semaphore(%arg9 : memref<!tpu.dma_semaphore, #tpu.memory_space<semaphore_mem>>) src(%dma_wait3A_395 : memref<1000000x32xf32, #tpu.memory_space<hbm>>) dst(%arg7 : memref<1040x32xf32, #tpu.memory_space<vmem>>)
    %add3A_396 = arith.constant 12480 : i32
    %add3A_397 = arith.addi %mul3A_2, %add3A_396 : i32
    %dma_start3A_398 = arith.constant 0 : i32
    %dma_start3A_399 = tpu.memref_slice %arg4[%add3A_397, %dma_start3A_398] : memref<532480x32xf32, #tpu.memory_space<hbm>> -> memref<1040x32xf32, #tpu.memory_space<hbm>>
    %dma_start3A_400 = arith.constant 0 : i32
    %dma_start3A_401 = tpu.memref_slice %arg4[%add3A_397, %dma_start3A_400] : memref<532480x32xf32, #tpu.memory_space<hbm>> -> memref<1040x32xf32, #tpu.memory_space<hbm>>
    tpu.enqueue_dma source(%arg7 : memref<1040x32xf32, #tpu.memory_space<vmem>>) target(%dma_start3A_401 : memref<1040x32xf32, #tpu.memory_space<hbm>>) target_semaphore(%arg11 : memref<!tpu.dma_semaphore, #tpu.memory_space<semaphore_mem>>)
    %dma_wait3A_402 = arith.constant 0 : i32
    %dma_wait3A_403 = tpu.memref_slice %arg4[%add3A_397, %dma_wait3A_402] : memref<532480x32xf32, #tpu.memory_space<hbm>> -> memref<1040x32xf32, #tpu.memory_space<hbm>>
    %dma_wait3A_404 = arith.constant 0 : i32
    %dma_wait3A_405 = tpu.memref_slice %arg4[%add3A_397, %dma_wait3A_404] : memref<532480x32xf32, #tpu.memory_space<hbm>> -> memref<1040x32xf32, #tpu.memory_space<hbm>>
    tpu.wait_dma2 semaphore(%arg11 : memref<!tpu.dma_semaphore, #tpu.memory_space<semaphore_mem>>) src(%arg7 : memref<1040x32xf32, #tpu.memory_space<vmem>>) dst(%dma_wait3A_405 : memref<1040x32xf32, #tpu.memory_space<hbm>>)
    %broadcast_in_dim3A_406 = arith.constant 28 : i32
    %broadcast_in_dim3A_407 = vector.broadcast %broadcast_in_dim3A_406 : i32 to vector<16xi32>
    %broadcast_in_dim3A_408 = arith.constant 0 : i32
    %broadcast_in_dim3A_409 = vector.broadcast %broadcast_in_dim3A_408 : i32 to vector<16xi32>
    %scan3A_410 = arith.constant 0 : i32
    %scan3A_411 = arith.constant 65 : i32
    %scan3A_412 = arith.addi %scan3A_410, %scan3A_411 : i32
    %scan3A_413 = arith.constant 1 : i32
    %scan3A_414:3 = scf.for %scan3A_481 = %scan3A_410 to %scan3A_412 step %scan3A_413 iter_args(%scan3A_482 = %broadcast_in_dim3A_407, %scan3A_483 = %broadcast_in_dim3A_409, %scan3A_484 = %iota3A) -> (vector<16xi32>, vector<16xi32>, vector<16xi32>)  : i32 {
      %gather3A = tpu.vector_load_idx %arg5[%scan3A_482, %scan3A_483, %scan3A_484] : memref<32x26x20xi32, #tpu.memory_space<vmem>>[vector<16xi32>, vector<16xi32>, vector<16xi32>], vector<16xi32>,
      %mul3A_485 = arith.constant 16 : i32
      %mul3A_486 = arith.muli %scan3A_481, %mul3A_485 : i32
      %add3A_487 = arith.constant 14560 : i32
      %add3A_488 = arith.addi %add3A_487, %mul3A_486 : i32
      %swap3A = arith.index_cast %add3A_488 : i32 to index
      %swap3A_489 = tpu.vector_load %arg6[%swap3A] {strides = array<i32>} : memref<16640xi32, #tpu.memory_space<vmem>>, vector<16xi32>,
      tpu.vector_store %arg6[%swap3A], %gather3A {strides = array<i32>} : memref<16640xi32, #tpu.memory_space<vmem>>, vector<16xi32>,
      %add3A_490 = arith.constant 16 : i32
      %add3A_491 = vector.broadcast %add3A_490 : i32 to vector<16xi32>
      %add3A_492 = arith.addi %scan3A_484, %add3A_491 : vector<16xi32>
      %ge3A = arith.constant 20 : i32
      %ge3A_493 = vector.broadcast %ge3A : i32 to vector<16xi32>
      %ge3A_494 = arith.cmpi sge, %add3A_492, %ge3A_493 : vector<16xi32>
      %sub3A = arith.constant 20 : i32
      %sub3A_495 = vector.broadcast %sub3A : i32 to vector<16xi32>
      %sub3A_496 = arith.subi %add3A_492, %sub3A_495 : vector<16xi32>
      %select_n3A = arith.select %ge3A_494, %sub3A_496, %add3A_492 : vector<16xi1>, vector<16xi32>
      %convert_element_type3A = arith.extui %ge3A_494 : vector<16xi1> to vector<16xi32>
      %add3A_497 = arith.addi %scan3A_483, %convert_element_type3A : vector<16xi32>
      %ge3A_498 = arith.constant 26 : i32
      %ge3A_499 = vector.broadcast %ge3A_498 : i32 to vector<16xi32>
      %ge3A_500 = arith.cmpi sge, %add3A_497, %ge3A_499 : vector<16xi32>
      %sub3A_501 = arith.constant 26 : i32
      %sub3A_502 = vector.broadcast %sub3A_501 : i32 to vector<16xi32>
      %sub3A_503 = arith.subi %add3A_497, %sub3A_502 : vector<16xi32>
      %select_n3A_504 = arith.select %ge3A_500, %sub3A_503, %add3A_497 : vector<16xi1>, vector<16xi32>
      %convert_element_type3A_505 = arith.extui %ge3A_500 : vector<16xi1> to vector<16xi32>
      %add3A_506 = arith.addi %scan3A_482, %convert_element_type3A_505 : vector<16xi32>
      scf.yield %add3A_506, %select_n3A_504, %select_n3A : vector<16xi32>, vector<16xi32>, vector<16xi32>
    }
    %scan3A_415 = arith.constant 65 : i32
    %dma_start3A_416 = arith.constant 14560 : i32
    %dma_start3A_417 = tpu.memref_slice %arg6[%dma_start3A_416] : memref<16640xi32, #tpu.memory_space<vmem>> -> memref<1040xi32, #tpu.memory_space<vmem>>
    %dma_start3A_418 = arith.constant 0 : i32
    %dma_start3A_419 = arith.constant 0 : i32
    %dma_start3A_420 = tpu.memref_slice %arg3[%dma_start3A_418, %dma_start3A_419] : memref<1000000x32xf32, #tpu.memory_space<hbm>> -> memref<1000000x32xf32, #tpu.memory_space<hbm>>
    tpu.enqueue_indirect_dma source(%dma_start3A_420 : memref<1000000x32xf32, #tpu.memory_space<hbm>>) target(%arg7 : memref<1040x32xf32, #tpu.memory_space<vmem>>) offsets(%dma_start3A_417 : memref<1040xi32, #tpu.memory_space<vmem>>) semaphore(%arg9 : memref<!tpu.dma_semaphore, #tpu.memory_space<semaphore_mem>>)
    %dma_wait3A_421 = arith.constant 13520 : i32
    %dma_wait3A_422 = tpu.memref_slice %arg6[%dma_wait3A_421] : memref<16640xi32, #tpu.memory_space<vmem>> -> memref<1040xi32, #tpu.memory_space<vmem>>
    %dma_wait3A_423 = arith.constant 0 : i32
    %dma_wait3A_424 = arith.constant 0 : i32
    %dma_wait3A_425 = tpu.memref_slice %arg3[%dma_wait3A_423, %dma_wait3A_424] : memref<1000000x32xf32, #tpu.memory_space<hbm>> -> memref<1000000x32xf32, #tpu.memory_space<hbm>>
    tpu.wait_indirect_dma semaphore(%arg10 : memref<!tpu.dma_semaphore, #tpu.memory_space<semaphore_mem>>) src(%dma_wait3A_425 : memref<1000000x32xf32, #tpu.memory_space<hbm>>) dst(%arg8 : memref<1040x32xf32, #tpu.memory_space<vmem>>)
    %add3A_426 = arith.constant 13520 : i32
    %add3A_427 = arith.addi %mul3A_2, %add3A_426 : i32
    %dma_start3A_428 = arith.constant 0 : i32
    %dma_start3A_429 = tpu.memref_slice %arg4[%add3A_427, %dma_start3A_428] : memref<532480x32xf32, #tpu.memory_space<hbm>> -> memref<1040x32xf32, #tpu.memory_space<hbm>>
    %dma_start3A_430 = arith.constant 0 : i32
    %dma_start3A_431 = tpu.memref_slice %arg4[%add3A_427, %dma_start3A_430] : memref<532480x32xf32, #tpu.memory_space<hbm>> -> memref<1040x32xf32, #tpu.memory_space<hbm>>
    tpu.enqueue_dma source(%arg8 : memref<1040x32xf32, #tpu.memory_space<vmem>>) target(%dma_start3A_431 : memref<1040x32xf32, #tpu.memory_space<hbm>>) target_semaphore(%arg12 : memref<!tpu.dma_semaphore, #tpu.memory_space<semaphore_mem>>)
    %dma_wait3A_432 = arith.constant 0 : i32
    %dma_wait3A_433 = tpu.memref_slice %arg4[%add3A_427, %dma_wait3A_432] : memref<532480x32xf32, #tpu.memory_space<hbm>> -> memref<1040x32xf32, #tpu.memory_space<hbm>>
    %dma_wait3A_434 = arith.constant 0 : i32
    %dma_wait3A_435 = tpu.memref_slice %arg4[%add3A_427, %dma_wait3A_434] : memref<532480x32xf32, #tpu.memory_space<hbm>> -> memref<1040x32xf32, #tpu.memory_space<hbm>>
    tpu.wait_dma2 semaphore(%arg12 : memref<!tpu.dma_semaphore, #tpu.memory_space<semaphore_mem>>) src(%arg8 : memref<1040x32xf32, #tpu.memory_space<vmem>>) dst(%dma_wait3A_435 : memref<1040x32xf32, #tpu.memory_space<hbm>>)
    %broadcast_in_dim3A_436 = arith.constant 30 : i32
    %broadcast_in_dim3A_437 = vector.broadcast %broadcast_in_dim3A_436 : i32 to vector<16xi32>
    %broadcast_in_dim3A_438 = arith.constant 0 : i32
    %broadcast_in_dim3A_439 = vector.broadcast %broadcast_in_dim3A_438 : i32 to vector<16xi32>
    %scan3A_440 = arith.constant 0 : i32
    %scan3A_441 = arith.constant 65 : i32
    %scan3A_442 = arith.addi %scan3A_440, %scan3A_441 : i32
    %scan3A_443 = arith.constant 1 : i32
    %scan3A_444:3 = scf.for %scan3A_481 = %scan3A_440 to %scan3A_442 step %scan3A_443 iter_args(%scan3A_482 = %broadcast_in_dim3A_437, %scan3A_483 = %broadcast_in_dim3A_439, %scan3A_484 = %iota3A) -> (vector<16xi32>, vector<16xi32>, vector<16xi32>)  : i32 {
      %gather3A = tpu.vector_load_idx %arg5[%scan3A_482, %scan3A_483, %scan3A_484] : memref<32x26x20xi32, #tpu.memory_space<vmem>>[vector<16xi32>, vector<16xi32>, vector<16xi32>], vector<16xi32>,
      %mul3A_485 = arith.constant 16 : i32
      %mul3A_486 = arith.muli %scan3A_481, %mul3A_485 : i32
      %add3A_487 = arith.constant 15600 : i32
      %add3A_488 = arith.addi %add3A_487, %mul3A_486 : i32
      %swap3A = arith.index_cast %add3A_488 : i32 to index
      %swap3A_489 = tpu.vector_load %arg6[%swap3A] {strides = array<i32>} : memref<16640xi32, #tpu.memory_space<vmem>>, vector<16xi32>,
      tpu.vector_store %arg6[%swap3A], %gather3A {strides = array<i32>} : memref<16640xi32, #tpu.memory_space<vmem>>, vector<16xi32>,
      %add3A_490 = arith.constant 16 : i32
      %add3A_491 = vector.broadcast %add3A_490 : i32 to vector<16xi32>
      %add3A_492 = arith.addi %scan3A_484, %add3A_491 : vector<16xi32>
      %ge3A = arith.constant 20 : i32
      %ge3A_493 = vector.broadcast %ge3A : i32 to vector<16xi32>
      %ge3A_494 = arith.cmpi sge, %add3A_492, %ge3A_493 : vector<16xi32>
      %sub3A = arith.constant 20 : i32
      %sub3A_495 = vector.broadcast %sub3A : i32 to vector<16xi32>
      %sub3A_496 = arith.subi %add3A_492, %sub3A_495 : vector<16xi32>
      %select_n3A = arith.select %ge3A_494, %sub3A_496, %add3A_492 : vector<16xi1>, vector<16xi32>
      %convert_element_type3A = arith.extui %ge3A_494 : vector<16xi1> to vector<16xi32>
      %add3A_497 = arith.addi %scan3A_483, %convert_element_type3A : vector<16xi32>
      %ge3A_498 = arith.constant 26 : i32
      %ge3A_499 = vector.broadcast %ge3A_498 : i32 to vector<16xi32>
      %ge3A_500 = arith.cmpi sge, %add3A_497, %ge3A_499 : vector<16xi32>
      %sub3A_501 = arith.constant 26 : i32
      %sub3A_502 = vector.broadcast %sub3A_501 : i32 to vector<16xi32>
      %sub3A_503 = arith.subi %add3A_497, %sub3A_502 : vector<16xi32>
      %select_n3A_504 = arith.select %ge3A_500, %sub3A_503, %add3A_497 : vector<16xi1>, vector<16xi32>
      %convert_element_type3A_505 = arith.extui %ge3A_500 : vector<16xi1> to vector<16xi32>
      %add3A_506 = arith.addi %scan3A_482, %convert_element_type3A_505 : vector<16xi32>
      scf.yield %add3A_506, %select_n3A_504, %select_n3A : vector<16xi32>, vector<16xi32>, vector<16xi32>
    }
    %scan3A_445 = arith.constant 65 : i32
    %dma_start3A_446 = arith.constant 15600 : i32
    %dma_start3A_447 = tpu.memref_slice %arg6[%dma_start3A_446] : memref<16640xi32, #tpu.memory_space<vmem>> -> memref<1040xi32, #tpu.memory_space<vmem>>
    %dma_start3A_448 = arith.constant 0 : i32
    %dma_start3A_449 = arith.constant 0 : i32
    %dma_start3A_450 = tpu.memref_slice %arg3[%dma_start3A_448, %dma_start3A_449] : memref<1000000x32xf32, #tpu.memory_space<hbm>> -> memref<1000000x32xf32, #tpu.memory_space<hbm>>
    tpu.enqueue_indirect_dma source(%dma_start3A_450 : memref<1000000x32xf32, #tpu.memory_space<hbm>>) target(%arg8 : memref<1040x32xf32, #tpu.memory_space<vmem>>) offsets(%dma_start3A_447 : memref<1040xi32, #tpu.memory_space<vmem>>) semaphore(%arg10 : memref<!tpu.dma_semaphore, #tpu.memory_space<semaphore_mem>>)
    %dma_wait3A_451 = arith.constant 14560 : i32
    %dma_wait3A_452 = tpu.memref_slice %arg6[%dma_wait3A_451] : memref<16640xi32, #tpu.memory_space<vmem>> -> memref<1040xi32, #tpu.memory_space<vmem>>
    %dma_wait3A_453 = arith.constant 0 : i32
    %dma_wait3A_454 = arith.constant 0 : i32
    %dma_wait3A_455 = tpu.memref_slice %arg3[%dma_wait3A_453, %dma_wait3A_454] : memref<1000000x32xf32, #tpu.memory_space<hbm>> -> memref<1000000x32xf32, #tpu.memory_space<hbm>>
    tpu.wait_indirect_dma semaphore(%arg9 : memref<!tpu.dma_semaphore, #tpu.memory_space<semaphore_mem>>) src(%dma_wait3A_455 : memref<1000000x32xf32, #tpu.memory_space<hbm>>) dst(%arg7 : memref<1040x32xf32, #tpu.memory_space<vmem>>)
    %add3A_456 = arith.constant 14560 : i32
    %add3A_457 = arith.addi %mul3A_2, %add3A_456 : i32
    %dma_start3A_458 = arith.constant 0 : i32
    %dma_start3A_459 = tpu.memref_slice %arg4[%add3A_457, %dma_start3A_458] : memref<532480x32xf32, #tpu.memory_space<hbm>> -> memref<1040x32xf32, #tpu.memory_space<hbm>>
    %dma_start3A_460 = arith.constant 0 : i32
    %dma_start3A_461 = tpu.memref_slice %arg4[%add3A_457, %dma_start3A_460] : memref<532480x32xf32, #tpu.memory_space<hbm>> -> memref<1040x32xf32, #tpu.memory_space<hbm>>
    tpu.enqueue_dma source(%arg7 : memref<1040x32xf32, #tpu.memory_space<vmem>>) target(%dma_start3A_461 : memref<1040x32xf32, #tpu.memory_space<hbm>>) target_semaphore(%arg11 : memref<!tpu.dma_semaphore, #tpu.memory_space<semaphore_mem>>)
    %dma_wait3A_462 = arith.constant 15600 : i32
    %dma_wait3A_463 = tpu.memref_slice %arg6[%dma_wait3A_462] : memref<16640xi32, #tpu.memory_space<vmem>> -> memref<1040xi32, #tpu.memory_space<vmem>>
    %dma_wait3A_464 = arith.constant 0 : i32
    %dma_wait3A_465 = arith.constant 0 : i32
    %dma_wait3A_466 = tpu.memref_slice %arg3[%dma_wait3A_464, %dma_wait3A_465] : memref<1000000x32xf32, #tpu.memory_space<hbm>> -> memref<1000000x32xf32, #tpu.memory_space<hbm>>
    tpu.wait_indirect_dma semaphore(%arg10 : memref<!tpu.dma_semaphore, #tpu.memory_space<semaphore_mem>>) src(%dma_wait3A_466 : memref<1000000x32xf32, #tpu.memory_space<hbm>>) dst(%arg8 : memref<1040x32xf32, #tpu.memory_space<vmem>>)
    %add3A_467 = arith.constant 15600 : i32
    %add3A_468 = arith.addi %mul3A_2, %add3A_467 : i32
    %dma_start3A_469 = arith.constant 0 : i32
    %dma_start3A_470 = tpu.memref_slice %arg4[%add3A_468, %dma_start3A_469] : memref<532480x32xf32, #tpu.memory_space<hbm>> -> memref<1040x32xf32, #tpu.memory_space<hbm>>
    %dma_start3A_471 = arith.constant 0 : i32
    %dma_start3A_472 = tpu.memref_slice %arg4[%add3A_468, %dma_start3A_471] : memref<532480x32xf32, #tpu.memory_space<hbm>> -> memref<1040x32xf32, #tpu.memory_space<hbm>>
    tpu.enqueue_dma source(%arg8 : memref<1040x32xf32, #tpu.memory_space<vmem>>) target(%dma_start3A_472 : memref<1040x32xf32, #tpu.memory_space<hbm>>) target_semaphore(%arg12 : memref<!tpu.dma_semaphore, #tpu.memory_space<semaphore_mem>>)
    %dma_wait3A_473 = arith.constant 0 : i32
    %dma_wait3A_474 = tpu.memref_slice %arg4[%add3A_457, %dma_wait3A_473] : memref<532480x32xf32, #tpu.memory_space<hbm>> -> memref<1040x32xf32, #tpu.memory_space<hbm>>
    %dma_wait3A_475 = arith.constant 0 : i32
    %dma_wait3A_476 = tpu.memref_slice %arg4[%add3A_457, %dma_wait3A_475] : memref<532480x32xf32, #tpu.memory_space<hbm>> -> memref<1040x32xf32, #tpu.memory_space<hbm>>
    tpu.wait_dma2 semaphore(%arg11 : memref<!tpu.dma_semaphore, #tpu.memory_space<semaphore_mem>>) src(%arg7 : memref<1040x32xf32, #tpu.memory_space<vmem>>) dst(%dma_wait3A_476 : memref<1040x32xf32, #tpu.memory_space<hbm>>)
    %dma_wait3A_477 = arith.constant 0 : i32
    %dma_wait3A_478 = tpu.memref_slice %arg4[%add3A_468, %dma_wait3A_477] : memref<532480x32xf32, #tpu.memory_space<hbm>> -> memref<1040x32xf32, #tpu.memory_space<hbm>>
    %dma_wait3A_479 = arith.constant 0 : i32
    %dma_wait3A_480 = tpu.memref_slice %arg4[%add3A_468, %dma_wait3A_479] : memref<532480x32xf32, #tpu.memory_space<hbm>> -> memref<1040x32xf32, #tpu.memory_space<hbm>>
    tpu.wait_dma2 semaphore(%arg12 : memref<!tpu.dma_semaphore, #tpu.memory_space<semaphore_mem>>) src(%arg8 : memref<1040x32xf32, #tpu.memory_space<vmem>>) dst(%dma_wait3A_480 : memref<1040x32xf32, #tpu.memory_space<hbm>>)
    return
  }
}

</mosaic_0001>

<sc_bundles>
// kernel: kernel.3.cloned.1.call-start
scs
__scs_entry_jumppad:
0x0: {  	(pc) =	sbr.rel $0x88, $3  }
0x1: {  	(tag) =	ssettag $0x0;
	lr =	simm.s32 $0x1  }
0x2: {  	[smem:$0x3F9F] =	sst lr;
	_ =	strace $0xD0000000  }
0x3: {  	_ = 	snop  }
0x4: {  	_ = 	snop  }
0x5: {  	_ = 	snop  }
0x6: {  	_ = 	snop  }
0x7: {  	_ = 	snop  }
__scs_overlays_trampoline_lowered:
0x8: {  	[smem:$0x3FAE] =	sst s0  }
0x9: {  	[smem:$0x3FAF] =	sst s1  }
0xa: {  	[smem:$0x3FB0] =	sst s2  }
0xb: {  	[smem:$0x3FB1] =	sst s3  }
0xc: {  	[smem:$0x3FB2] =	sst s4  }
0xd: {  	[smem:$0x3FB3] =	sst s5  }
0xe: {  	[smem:$0x3FB4] =	sst s6  }
0xf: {  	[smem:$0x3FB5] =	sst s7  }
0x10: {  	[smem:$0x3FB6] =	sst s8  }
0x11: {  	[smem:$0x3FB7] =	sst s9;
	s0 =	simm.s32 @!p0 $0x0  }
0x12: {  	s1 =	sld [smem:$0x3F9D];
	s0 =	simm.s32 @p0 $0x1  }
0x13: {  	[smem:$0x3FB8] =	sst s0;
	s0 =	simm.s32 @!p1 $0x0  }
0x14: {  	s2 =	sld [smem:$0x3F9C];
	s0 =	simm.s32 @p1 $0x1  }
0x15: {  	[smem:$0x3FB9] =	sst s0;
	s0 =	simm.s32 @!p2 $0x0  }
0x16: {  	s3 =	sld [smem:$0x3FDB];
	s0 =	simm.s32 @p2 $0x1  }
0x17: {  	s4 =	simm.s32 $0x1BF5;
	[smem:$0x3FBB] =	sst s0  }
0x18: {  	s0 =	sld [smem:$0x3F9E];
	_ =	swait.ge [sflag:s4], $0x0  }
0x19: {  	s7 =	sld [smem:$0x3F9F]  }
0x1a: {  	s8 =	sadd.s32 $0xFFFFE003, lr  }
0x1b: {  	s9 =	sadd.s32 $0xFFFFFEF7, lr;
	s5 =	simm.s32 $0xFFFFFFFF;
	p2 =	slt.u32 s8, $0xFFFFF086  }
0x1c: {  	p1 =	slt.u32 s9, $0xF7A;
	s5 =	simm.s32 @!p2 $0x0  }
0x1d: {  	s5 =	simm.s32 @p1 $0x1;
	p0 =	seq.s32 s7, s2  }
0x1e: {  	s7 =	smul.u32 @!p0 $0xF7A, s2;
	p2 =	seq.s32 @!p0 s5, $0x0  }
0x1f: {  	s9 =	smul.u32 $0xF7A, s1;
	s8 =	simm.s32 @!p0 $0x1BF5;
	p2 =	por !p2, p0  }
0x20: {  	[sflag:s8] =	ssyncset.s32 @!p0 $0xFFFFF086;
	s6 =	sadd.s32 @!p0 s3, s7;
	s7 =	simm.s32 @!p0 $0x108  }
0x21: {  	s3 =	sadd.s32 s3, s9;
	s6 =	sadd.s32 @!p0 $0x88, s6;
	s7 =	simm.s32 @p2 $0x1082  }
0x22: {  	[simem:s7], [sflag:s8] =	dma.local @!p0 [hbm:s6], $0xF7A  }
0x23: {  	s9 =	sor.u32 $0xD0000000, s2;
	s6 =	simm.s32 $0x108;
	_ =	swait.ge @!p0 [sflag:s8], $0x0  }
0x24: {  	s3 =	sadd.s32 $0x88, s3;
	s6 =	simm.s32 @!p1 $0x1082;
	[sflag:s4] =	ssyncset.s32 $0xFFFFF086  }
0x25: {  	[simem:s6], [sflag:s4] =	dma.local [hbm:s3], $0xF7A  }
0x26: {  	[smem:$0x3F9F] =	sst s1;
	(tag) =	ssettag s2;
	_ =	strace s9  }
0x27: {  	s1 =	sld [smem:$0x3FAF]  }
0x28: {  	s2 =	sld [smem:$0x3FB0]  }
0x29: {  	s4 =	sld [smem:$0x3FB2]  }
0x2a: {  	p0 =	seq.s32 s5, $0x0;
	s5 =	sld [smem:$0x3FB3]  }
0x2b: {  	s6 =	sld [smem:$0x3FB4]  }
0x2c: {  	s7 =	sld [smem:$0x3FB5]  }
0x2d: {  	s3 =	simm.s32 $0x108;
	s8 =	sld [smem:$0x3FB6]  }
0x2e: {  	s3 =	simm.s32 @!p0 $0x1082;
	s9 =	sld [smem:$0x3FB7]  }
0x2f: {  	lr =	sadd.s32 s0, s3;
	s0 =	sld [smem:$0x3FAE]  }
0x30: {  	s3 =	sld [smem:$0x3FB1]  }
0x31: {  	[smem:$0x3FBA] =	sst s10  }
0x32: {  	s10 =	sld [smem:$0x3FB8];
	_ =	sdelay $0x3  }
0x33: {  	p0 =	seq.s32 s10, $0x1;
	s10 =	sld [smem:$0x3FBA];
	_ =	sdelay $0x3  }
0x34: {  	[smem:$0x3FBA] =	sst s10  }
0x35: {  	s10 =	sld [smem:$0x3FB9];
	_ =	sdelay $0x3  }
0x36: {  	p1 =	seq.s32 s10, $0x1;
	s10 =	sld [smem:$0x3FBA];
	_ =	sdelay $0x3  }
0x37: {  	[smem:$0x3FBA] =	sst s10  }
0x38: {  	s10 =	sld [smem:$0x3FBB]  }
0x39: {  	_ = 	snop;
	(pc) =	sbr.ind lr, $3  }
0x3a: {  	_ = 	snop  }
0x3b: {  	_ = 	snop  }
0x3c: {  	p2 =	seq.s32 s10, $0x1;
	s10 =	sld [smem:$0x3FBA]  }
0x3d: {  	_ =	shalt  }
0x3e: {  	_ =	shalt  }
0x3f: {  	_ =	shalt  }
0x40: {  	_ =	shalt  }
0x41: {  	_ =	shalt  }
0x42: {  	_ =	shalt  }
0x43: {  	_ =	shalt  }
0x44: {  	_ =	shalt  }
0x45: {  	_ =	shalt  }
0x46: {  	_ =	shalt  }
0x47: {  	_ =	shalt  }
0x48: {  	_ =	shalt  }
0x49: {  	_ =	shalt  }
0x4a: {  	_ =	shalt  }
0x4b: {  	_ =	shalt  }
0x4c: {  	_ =	shalt  }
0x4d: {  	_ =	shalt  }
0x4e: {  	_ =	shalt  }
0x4f: {  	_ =	shalt  }
0x50: {  	_ =	shalt  }
0x51: {  	_ =	shalt  }
0x52: {  	_ =	shalt  }
0x53: {  	_ =	shalt  }
0x54: {  	_ =	shalt  }
0x55: {  	_ =	shalt  }
0x56: {  	_ =	shalt  }
0x57: {  	_ =	shalt  }
0x58: {  	_ =	shalt  }
0x59: {  	_ =	shalt  }
0x5a: {  	_ =	shalt  }
0x5b: {  	_ =	shalt  }
0x5c: {  	_ =	shalt  }
0x5d: {  	_ =	shalt  }
0x5e: {  	_ =	shalt  }
0x5f: {  	_ =	shalt  }
0x60: {  	_ =	shalt  }
0x61: {  	_ =	shalt  }
0x62: {  	_ =	shalt  }
0x63: {  	_ =	shalt  }
0x64: {  	_ =	shalt  }
0x65: {  	_ =	shalt  }
0x66: {  	_ =	shalt  }
0x67: {  	_ =	shalt  }
0x68: {  	_ =	shalt  }
0x69: {  	_ =	shalt  }
0x6a: {  	_ =	shalt  }
0x6b: {  	_ =	shalt  }
0x6c: {  	_ =	shalt  }
0x6d: {  	_ =	shalt  }
0x6e: {  	_ =	shalt  }
0x6f: {  	_ =	shalt  }
0x70: {  	_ =	shalt  }
0x71: {  	_ =	shalt  }
0x72: {  	_ =	shalt  }
0x73: {  	_ =	shalt  }
0x74: {  	_ =	shalt  }
0x75: {  	_ =	shalt  }
0x76: {  	_ =	shalt  }
0x77: {  	_ =	shalt  }
0x78: {  	_ =	shalt  }
0x79: {  	_ =	shalt  }
0x7a: {  	_ =	shalt  }
0x7b: {  	_ =	shalt  }
0x7c: {  	_ =	shalt  }
0x7d: {  	_ =	shalt  }
0x7e: {  	_ =	shalt  }
0x7f: {  	_ =	shalt  }
0x80: {  	_ =	shalt  }
0x81: {  	_ =	shalt  }
0x82: {  	_ =	shalt  }
0x83: {  	_ =	shalt  }
0x84: {  	_ =	shalt  }
0x85: {  	_ =	shalt  }
0x86: {  	_ =	shalt  }
0x87: {  	_ =	shalt  }
.Lfunc_end0:
.L_simem_size_0:
called_computation.1_lowered:
.L_overlay_start_0:
0x88: {  	s2 =	sld [smem:$0x3FD9]  }
0x89: {  	s3 =	sld [smem:$0x3FFE];
	_ =	sdelay $0x1  }
0x8a: {  	s1 =	srdreg.scid  }
0x8b: {  	s0 =	sand.u32 $0x1, s1  }
0x8c: {  	s17 =	sshll.u32 s0, $0xA;
	s2 =	sadd.s32 s3, s2  }
0x8d: {  	s2 =	sadd.s32 s2, s17  }
0x8e: {  	[smem:$0x3FC6] =	sst s2  }
0x8f: {  	_ = 	snop  }
0x90: {  	s2 =	sld [smem:$0x3FD0];
	(tm) =	ssettm $0x1  }
0x91: {  	s18 =	sld [smem:$0x3FFB];
	_ =	sdelay $0x3  }
0x92: {  	_ =	strace s18  }
0x93: {  	s3 =	sld [smem:$0x3FFC];
	_ =	sdelay $0x3  }
0x94: {  	_ =	strace s3  }
0x95: {  	s3 =	sld [smem:$0x3FFD];
	_ =	sdelay $0x3  }
0x96: {  	_ =	strace s3  }
0x97: {  	_ =	strace $0x8FFFFFFF  }
0x98: {  	s19 =	sld [smem:$0x3FDB];
	_ =	sdelay $0x1  }
0x99: {  	s4 =	simm.s32 $_scs_section_size  }
0x9a: {  	s5 =	simm.s32 $_size__tile_overlayer_lowered;
	s6 =	simm.s32 $_tile_overlayer_lowered  }
0x9b: {  	s22 =	simm.s32 $0x1BFF;
	s21 =	sshll.u32 s6, $0x1;
	s3 =	sadd.s32 s4, s19  }
0x9c: {  	s7 =	simm.s32 $0x0;
	s20 =	sshll.u32 s5, $0x1;
	s5 =	sadd.s32 s21, s3  }
0x9d: {  	[timem:s7], [sflag:s22] =	dma.local [hbm:s5], s20  }
0x9e: {  	_ =	swait.ge [sflag:s22], s20  }
0x9f: {  	s4 =	ssub.s32 $0x0, s20;
	[sflag:s22] =	ssyncset.done $0x0  }
0xa0: {  	[sflag:s22] =	ssyncadd.s32 s4;
	_ =	sdelay $0x1  }
0xa1: {  	s23 =	simm.s32 $0x1B8B  }
0xa2: {  	_ =	swait.ge [sflag:s23], $0x1  }
0xa3: {  	[sflag:s23] =	ssyncset.done $0x0  }
0xa4: {  	s25 =	simm.s32 $0x1B8E;
	s24 =	sld [smem:$0x3FFE];
	[sflag:s23] =	ssyncadd.s32 $0xFFFFFFFF  }
0xa5: {  	s26 =	simm.s32 $execute0_lowered;
	[smem:$0x3FD2] =	sst s25  }
0xa6: {  	s5 =	sshll.u32 s26, $0x1;
	_ =	strace $0x80000046;
	[dreg:$0x1] =	wrdreg $0xFFFFFFFF  }
0xa7: {  	s28 =	simm.s32 $_size_execute0_lowered;
	s3 =	sadd.s32 s3, s5;
	[dreg:$0x0] =	wrdreg $0x0  }
0xa8: {  	s5 =	sshll.u32 s28, $0x1;
	[dreg:$0x2] =	wrdreg s3  }
0xa9: {  	[dreg:$0x3] =	wrdreg s5  }
0xaa: {  	[dreg:$0x4] =	wrdreg $0xC0  }
0xab: {  	_ =	task [dreg:s7], $0x5FFFF  }
0xac: {  	[dreg:$0x1] =	wrdreg $0xFFFFFFFF  }
0xad: {  	[dreg:$0x0] =	wrdreg $0x60  }
0xae: {  	[dreg:$0x2] =	wrdreg s24  }
0xaf: {  	[dreg:$0x3] =	wrdreg s2  }
0xb0: {  	[dreg:$0x4] =	wrdreg $0x9  }
0xb1: {  	_ =	task.clear_ibuf [dreg:s7], $0x5FFFF;
	_ =	strace $0x90000046  }
0xb2: {  	s29 =	simm.s32 $0x9;
	_ =	strace $0x80000048  }
0xb3: {  	_ =	swait.ge [sflag:s29], $0x1  }
0xb4: {  	[sflag:s29] =	ssyncadd.s32 $0xFFFFFFFF  }
0xb5: {  	_ =	strace $0x90000048  }
0xb6: {  	_ =	sfence  }
0xb7: {  	s30 =	sld [smem:$0x0];
	_ =	sdelay $0x2  }
0xb8: {  	s31 =	sshll.u32 s1, $0xD;
	s1 =	sshrl.u32 s1, $0x2  }
0xb9: {  	s3 =	sand.u32 $0x4000, s31;
	s1 =	sadd.s32 s1, s30  }
0xba: {  	s0 =	sor.u32 s3, s0;
	s1 =	sshll.u32 s1, $0x11  }
0xbb: {  	s0 =	sor.u32 s1, s0  }
0xbc: {  	s0 =	sadd.s32 $0x8F2B, s0  }
0xbd: {  	[sflag:s0] =	ssyncadd.remote.s32 $0x1  }
0xbe: {  	_ =	sfence.sel $0xFFFF  }
0xbf: {  	[dreg:$0x0] =	wrdreg $0xFFFFFFFF;
	(pc) =	sbr.abs _section_cstart, $3  }
0xc0: {  	[dreg:$0x1] =	wrdreg $0xFFFFFFFF  }
0xc1: {  	_ =	task.clear_ibuf [dreg:s7], $0x2FFFF;
	_ =	strace $0x9FFFFFFF  }
0xc2: {  	(tm) =	ssettm $0x7FFFFFFF  }
0xc3: {  	_ =	shalt  }
tec
execute0_lowered:
.L_overlay_start_1:
0x0: {  	(tag) =	ssettag $0x1  }
0x1: {  	s0 =	rddreg [dreg:$0x0];
	s1 =	srdreg.scid  }
0x2: {  	s2 =	stileid.u32;
	s4 =	rddreg [dreg:$0x1];
	s22 =	simm.s32 $0x5  }
0x3: {  	s23 =	simm.s32 $0x410;
	s1 =	sand.u32 $0x1, s1;
	s3 =	sshll.u32 s2, $0x1  }
0x4: {  	s28 =	simm.s32 $0x11100;
	s29 =	simm.s32 $0x1;
	s5 =	sor.u32 s1, s3  }
0x5: {  	s30 =	simm.s32 $0x3;
	s2 =	simm.s32 $0x0;
	s3 =	smul.u32 $0x9C0, s5  }
0x6: {  	[smem:$0x7FF] =	sst s2;
	s24 =	ssub.s32 $0x2, s1;
	s6 =	smul.u32 $0x82000, s5  }
0x7: {  	_ =	strace $0x80000047;
	s1 =	sshrl.u32 s24, $0x1;
	s5 =	smul.u32 $0x10400, s5  }
0x8: {  	s7 =	sadd.s32 s3, s0;
	s3 =	sadd.s32 $0xF42E00, s0;
	s6 =	sshrl.u32 s6, $0x3  }
0x9: {  	s0 =	ssub.s32 s24, s1;
	s1 =	simm.s32 $0x2;
	s25 =	sadd.s32 $0xA00, s7  }
0xa: {  	s26 =	sadd.s32 s4, s6;
	s4 =	sadd.s32 s4, s5;
	[dreg:$0x3] =	wrdreg s25  }
0xb: {  	s21 =	smax.u32 s0, $0x1;
	s0 =	simm.s32 $0x4;
	[dreg:$0x4] =	wrdreg s4  }
0xc: {  	s31 =	sadd.s32 $0x1040, s26;
	s7 =	sadd.s32 $0x2080, s26;
	s8 =	sadd.s32 $0x30C0, s26  }
0xd: {  	s9 =	sadd.s32 $0x4100, s26;
	s10 =	sadd.s32 $0x5140, s26;
	s11 =	sadd.s32 $0x6180, s26  }
0xe: {  	s12 =	sadd.s32 $0x71C0, s26;
	s13 =	sadd.s32 $0x8200, s26;
	s14 =	sadd.s32 $0x9240, s26  }
0xf: {  	s15 =	sadd.s32 $0xA280, s26;
	s16 =	sadd.s32 $0xB2C0, s26;
	s17 =	sadd.s32 $0xC300, s26  }
0x10: {  	s18 =	sadd.s32 $0xD340, s26;
	s19 =	sadd.s32 $0xE380, s26;
	s20 =	sadd.s32 $0xF3C0, s26  }
0x11: {  	v0 =	vimm.s32 $0x0;
	s25 =	simm.s32 $0x8F00;
	s26 =	simm.s32 $0x0;
	[dreg:$0x5] =	wrdreg s31  }
.LBB2_1:
0x12: {  	v1 =	vlaneseq.u32  }
0x13: {  	v2 =	vadd.s32 $0x10, v1  }
0x14: {  	v3 =	vmul.u32 $0x270, v0;
	vm0 =	vgt.s32 v2, $0x13  }
0x15: {  	v4 =	vmul.u32 $0x18, v0;
	v6 =	vadd.s32 $0xFFFFFFFC, v1;
	v5 =	vsel vm0, $0x1, v0  }
0x16: {  	v7 =	vand.u32 $0xFFFFFFF8, v1;
	v1 =	vand.u32 $0x7, v1;
	v5 =	vadd.s32 v5, v0  }
0x17: {  	v3 =	vadd.s32 v3, v4;
	v2 =	vsel vm0, v6, v2;
	vm13 =	vgt.s32 v5, $0x19  }
0x18: {  	v3 =	vadd.s32 v7, v3;
	v4 =	vadd.s32 $0xFFFFFFE6, v5;
	v6 =	vsel vm13, $0x1, v0  }
0x19: {  	v8 =	vadd.s32 $0x10, v2;
	v4 =	vsel vm13, v4, v5;
	v6 =	vadd.s32 v6, v0  }
0x1a: {  	s4 =	rddreg [dreg:$0x3];
	v9 =	vor.u32 v1, v3;
	v7 =	vmul.u32 $0x18, v4;
	v5 =	vmul.u32 $0x270, v6  }
0x1b: {  	[tilespmem:s2], [sflag:$0x5] =	stream.linear.gather [hbm4b:s4+s2], $0x4E00, $0x38;
	v1 =	vadd.s32 $0xFFFFFFFC, v2;
	vm14 =	vgt.s32 v8, $0x13;
	[tilespmem:$0x19300] =	vst v63  }
0x1c: {  	_ =	swait.ge [sflag:s22], $0x4E00;
	v3 =	vadd.s32 v5, v7;
	v5 =	vsel vm14, $0x1, v0;
	v7 =	vand.u32 $0xFFFFFFF8, v2  }
0x1d: {  	[sflag:s22] =	ssyncset.done $0x0;
	v2 =	vand.u32 $0x7, v2;
	v4 =	vadd.s32 v5, v4;
	v3 =	vadd.s32 v7, v3  }
0x1e: {  	[sflag:s22] =	ssyncadd.s32 $0xFFFFB200;
	vm15 =	vgt.s32 v4, $0x19;
	v2 =	vor.u32 v2, v3;
	v3 =	vadd.s32 $0xFFFFFFE6, v4  }
0x1f: {  	v5 =	vsel vm15, v3, v4;
	v4 =	vld.idx.msk [tilespmem:v9+s2+$0x0], $0xffff;
	_ =	sdelay $0x1  }
0x20: {  	v1 =	vsel vm14, v1, v8;
	v8 =	vsel vm15, $0x1, v0  }
0x21: {  	s24 =	simm.s32 $0x40;
	v10 =	vadd.s32 $0x10, v1;
	v3 =	vadd.s32 v8, v6  }
0x22: {  	s31 =	simm.s32 $0x80;
	s5 =	simm.s32 $0x0;
	s4 =	simm.s32 $0xC0;
	v7 =	vadd.s32 $0xFFFFFFFC, v1;
	v9 =	vmul.u32 $0x18, v5;
	v6 =	vmovc v1;
	v8 =	vmul.u32 $0x270, v3  }
.LBB2_2:
0x23: {  	p0 =	sne.s32 s4, $0x1000;
	v11 =	vand.u32 $0xFFFFFFF8, v1;
	vm0 =	vgt.s32 v10, $0x13;
	[tilespmem:s5+$0x4E00] =	vst v4;
	s6 =	smov.u32 s4;
	s4 =	sadd.s32 $0x40, s4  }
0x24: {  	v8 =	vadd.s32 v8, v9;
	v1 =	vsel vm0, v7, v10;
	v7 =	vsel vm0, $0x1, v0;
	v4 =	vld.idx.msk [tilespmem:v2+s2+$0x0], $0xffff  }
.Ltmp0:
0x25: {  	v2 =	vand.u32 $0x7, v6;
	v8 =	vadd.s32 v11, v8;
	v5 =	vadd.s32 v7, v5;
	v6 =	vmovc v1;
	(pc) =	sbr.rel @p0 .LBB2_2-.Ltmp0, $4  }
0x26: {  	v2 =	vor.u32 v2, v8;
	vm0 =	vgt.s32 v5, $0x19;
	v8 =	vadd.s32 $0xFFFFFFE6, v5  }
0x27: {  	v7 =	vadd.s32 $0xFFFFFFFC, v1;
	v5 =	vsel vm0, v8, v5;
	v8 =	vsel vm0, $0x1, v0  }
0x28: {  	v3 =	vadd.s32 v8, v3  }
0x29: {  	s5 =	sshra.s32 s24, $0x2;
	s24 =	smov.u32 s31;
	s31 =	smov.u32 s6;
	v10 =	vadd.s32 $0x10, v1;
	v9 =	vmul.u32 $0x18, v5;
	v8 =	vmul.u32 $0x270, v3  }
0x2a: {  	_ =	sdelay $0x2  }
0x2b: {  	v1 =	vand.u32 $0xFFFFFFF8, v1;
	[tilespmem:s5+$0x4E00] =	vst v4;
	v3 =	vadd.s32 v8, v9  }
0x2c: {  	v5 =	vand.u32 $0x7, v6;
	v4 =	vimm.s32 $0x0;
	v2 =	vld.idx.msk [tilespmem:v2+s2+$0x0], $0xffff;
	v1 =	vadd.s32 v1, v3  }
0x2d: {  	v3 =	vimm.s32 $0x2;
	v1 =	vor.u32 v5, v1;
	v5 =	vlaneseq.u32  }
0x2e: {  	v7 =	vmul.u32 $0x18, v4;
	v6 =	vmul.u32 $0x270, v3;
	v8 =	vadd.s32 $0x10, v5  }
0x2f: {  	v9 =	vadd.s32 $0xFFFFFFFC, v5;
	vm0 =	vgt.s32 v8, $0x13  }
0x30: {  	s4 =	sshra.s32 s24, $0x2;
	v10 =	vand.u32 $0xFFFFFFF8, v5;
	v6 =	vadd.s32 v6, v7;
	v7 =	vsel vm0, $0x1, v0  }
0x31: {  	v8 =	vsel vm0, v9, v8;
	[tilespmem:s4+$0x4E00] =	vst v2;
	v2 =	vand.u32 $0x7, v5;
	v4 =	vadd.s32 v7, v4  }
0x32: {  	v5 =	vadd.s32 v10, v6;
	vm13 =	vgt.s32 v4, $0x19;
	v6 =	vld.idx.msk [tilespmem:v1+s2+$0x0], $0xffff;
	v1 =	vadd.s32 $0xFFFFFFE6, v4  }
0x33: {  	v4 =	vsel vm13, v1, v4;
	v1 =	vadd.s32 $0x10, v8  }
0x34: {  	v11 =	vor.u32 v2, v5;
	v9 =	vsel vm13, $0x1, v0;
	vm14 =	vgt.s32 v1, $0x13  }
0x35: {  	v3 =	vadd.s32 v9, v3;
	v2 =	vsel vm14, $0x1, v0  }
0x36: {  	s6 =	sshra.s32 s31, $0x2;
	v10 =	vmul.u32 $0x18, v4;
	v9 =	vmul.u32 $0x270, v3;
	v4 =	vadd.s32 v2, v4  }
0x37: {  	s24 =	simm.s32 $0x4E00;
	v7 =	vadd.s32 $0xFFFFFFFC, v8;
	v5 =	vand.u32 $0xFFFFFFF8, v8;
	[tilespmem:s6+$0x4E00] =	vst v6;
	vm15 =	vgt.s32 v4, $0x19  }
0x38: {  	v1 =	vsel vm14, v7, v1;
	v7 =	vadd.s32 v9, v10;
	[tilespmem:s25], [sflag:$0x1] =	stream.indirect.gather [hbm4b:s3+s23], $0x20, s24, s23, $0xb8;
	v6 =	vsel vm15, $0x1, v0;
	[tilespmem:$0x19300] =	vst v63  }
0x39: {  	v2 =	vand.u32 $0x7, v8;
	v5 =	vadd.s32 v5, v7;
	v3 =	vadd.s32 v6, v3;
	v6 =	vld.idx.msk [tilespmem:v11+s2+$0x0], $0xffff  }
0x3a: {  	v2 =	vor.u32 v2, v5  }
0x3b: {  	v5 =	vadd.s32 $0xFFFFFFE6, v4  }
0x3c: {  	s31 =	simm.s32 $0x40;
	v10 =	vadd.s32 $0x10, v1;
	v5 =	vsel vm15, v5, v4  }
0x3d: {  	s5 =	simm.s32 $0x0;
	s4 =	simm.s32 $0xC0;
	v7 =	vadd.s32 $0xFFFFFFFC, v1;
	s24 =	simm.s32 $0x80;
	v8 =	vmul.u32 $0x270, v3;
	v4 =	vmovc v1;
	v9 =	vmul.u32 $0x18, v5  }
.LBB2_4:
0x3e: {  	p0 =	sne.s32 s4, $0x1000;
	v11 =	vand.u32 $0xFFFFFFF8, v1;
	vm0 =	vgt.s32 v10, $0x13;
	[tilespmem:s5+$0x5210] =	vst v6;
	s6 =	smov.u32 s4;
	s4 =	sadd.s32 $0x40, s4  }
0x3f: {  	v8 =	vadd.s32 v8, v9;
	v1 =	vsel vm0, v7, v10;
	v7 =	vsel vm0, $0x1, v0;
	v6 =	vld.idx.msk [tilespmem:v2+s2+$0x0], $0xffff  }
.Ltmp1:
0x40: {  	v2 =	vand.u32 $0x7, v4;
	v8 =	vadd.s32 v11, v8;
	v5 =	vadd.s32 v7, v5;
	v4 =	vmovc v1;
	(pc) =	sbr.rel @p0 .LBB2_4-.Ltmp1, $4  }
0x41: {  	v2 =	vor.u32 v2, v8;
	vm0 =	vgt.s32 v5, $0x19;
	v8 =	vadd.s32 $0xFFFFFFE6, v5  }
0x42: {  	v7 =	vadd.s32 $0xFFFFFFFC, v1;
	v5 =	vsel vm0, v8, v5;
	v8 =	vsel vm0, $0x1, v0  }
0x43: {  	v3 =	vadd.s32 v8, v3  }
0x44: {  	s5 =	sshra.s32 s31, $0x2;
	s31 =	smov.u32 s24;
	s24 =	smov.u32 s6;
	v10 =	vadd.s32 $0x10, v1;
	v9 =	vmul.u32 $0x18, v5;
	v8 =	vmul.u32 $0x270, v3  }
0x45: {  	_ =	sdelay $0x2  }
0x46: {  	v1 =	vand.u32 $0xFFFFFFF8, v1;
	[tilespmem:s5+$0x5210] =	vst v6;
	v3 =	vadd.s32 v8, v9  }
0x47: {  	v4 =	vand.u32 $0x7, v4;
	v2 =	vld.idx.msk [tilespmem:v2+s2+$0x0], $0xffff;
	v1 =	vadd.s32 v1, v3  }
0x48: {  	v1 =	vor.u32 v4, v1;
	_ =	sdelay $0x2  }
0x49: {  	s4 =	sshra.s32 s31, $0x2  }
0x4a: {  	[tilespmem:s4+$0x5210] =	vst v2  }
0x4b: {  	v1 =	vld.idx.msk [tilespmem:v1+s2+$0x0], $0xffff;
	_ =	sdelay $0x2  }
0x4c: {  	v5 =	vimm.s32 $0x0;
	v4 =	vimm.s32 $0x4;
	v2 =	vlaneseq.u32  }
0x4d: {  	s24 =	sshra.s32 s24, $0x2;
	v7 =	vmul.u32 $0x18, v5;
	v6 =	vmul.u32 $0x270, v4;
	v3 =	vadd.s32 $0x10, v2  }
0x4e: {  	s5 =	simm.s32 $0x5210;
	vm0 =	vgt.s32 v3, $0x13;
	[tilespmem:s24+$0x5210] =	vst v1  }
0x4f: {  	v6 =	vadd.s32 v6, v7;
	v8 =	vsel vm0, $0x1, v0;
	[tilespmem:s28], [sflag:$0x2] =	stream.indirect.gather [hbm4b:s3+s23], $0x20, s5, s23, $0xb8;
	[tilespmem:$0x19300] =	vst v63  }
0x50: {  	v9 =	vadd.s32 $0xFFFFFFFC, v2;
	v5 =	vadd.s32 v8, v5;
	v8 =	vand.u32 $0xFFFFFFF8, v2;
	_ =	swait.ge [sflag:s29], $0x8200  }
0x51: {  	vm13 =	vgt.s32 v5, $0x19;
	v6 =	vadd.s32 v8, v6;
	v1 =	vand.u32 $0x7, v2;
	[sflag:s29] =	ssyncset.done $0x0  }
0x52: {  	s6 =	simm.s32 $0x0;
	v7 =	vsel vm13, $0x1, v0;
	v2 =	vadd.s32 $0xFFFFFFE6, v5;
	v6 =	vor.u32 v1, v6;
	s24 =	rddreg [dreg:$0x4];
	[sflag:s29] =	ssyncadd.s32 $0xFFFF7E00  }
0x53: {  	v3 =	vsel vm0, v9, v3;
	v4 =	vadd.s32 v7, v4;
	v2 =	vsel vm13, v2, v5;
	[hbm4b:s24+s6] =	stream.linear.scatter [tilespmem:s25], [sflag:$0x3], $0x8200, $0x38;
	[tilespmem:$0x19300] =	vst v63  }
0x54: {  	v8 =	vadd.s32 $0x10, v3;
	v5 =	vmul.u32 $0x270, v4;
	v7 =	vmul.u32 $0x18, v2;
	_ =	swait.ge [sflag:s30], $0x8200  }
0x55: {  	v9 =	vand.u32 $0xFFFFFFF8, v3;
	vm14 =	vgt.s32 v8, $0x13;
	v1 =	vadd.s32 $0xFFFFFFFC, v3;
	[sflag:s30] =	ssyncset.done $0x0  }
0x56: {  	v1 =	vsel vm14, v1, v8;
	v5 =	vadd.s32 v5, v7;
	v7 =	vsel vm14, $0x1, v0;
	[sflag:s30] =	ssyncadd.s32 $0xFFFF7E00  }
0x57: {  	v8 =	vadd.s32 v7, v2;
	v2 =	vand.u32 $0x7, v3;
	v3 =	vadd.s32 v9, v5;
	v6 =	vld.idx.msk [tilespmem:v6+s2+$0x0], $0xffff  }
0x58: {  	vm15 =	vgt.s32 v8, $0x19;
	v2 =	vor.u32 v2, v3  }
0x59: {  	v3 =	vadd.s32 $0xFFFFFFE6, v8;
	v9 =	vsel vm15, $0x1, v0  }
0x5a: {  	s31 =	simm.s32 $0x40;
	v10 =	vadd.s32 $0x10, v1;
	v5 =	vsel vm15, v3, v8;
	v3 =	vadd.s32 v9, v4  }
0x5b: {  	s4 =	simm.s32 $0xC0;
	s5 =	simm.s32 $0x0;
	v7 =	vadd.s32 $0xFFFFFFFC, v1;
	s24 =	simm.s32 $0x80;
	v9 =	vmul.u32 $0x18, v5;
	v4 =	vmovc v1;
	v8 =	vmul.u32 $0x270, v3  }
.LBB2_6:
0x5c: {  	p0 =	sne.s32 s4, $0x1000;
	v11 =	vand.u32 $0xFFFFFFF8, v1;
	vm0 =	vgt.s32 v10, $0x13;
	[tilespmem:s5+$0x5620] =	vst v6;
	s6 =	smov.u32 s4;
	s4 =	sadd.s32 $0x40, s4  }
0x5d: {  	v8 =	vadd.s32 v8, v9;
	v1 =	vsel vm0, v7, v10;
	v7 =	vsel vm0, $0x1, v0;
	v6 =	vld.idx.msk [tilespmem:v2+s2+$0x0], $0xffff  }
.Ltmp2:
0x5e: {  	v2 =	vand.u32 $0x7, v4;
	v8 =	vadd.s32 v11, v8;
	v5 =	vadd.s32 v7, v5;
	v4 =	vmovc v1;
	(pc) =	sbr.rel @p0 .LBB2_6-.Ltmp2, $4  }
0x5f: {  	v2 =	vor.u32 v2, v8;
	vm0 =	vgt.s32 v5, $0x19;
	v8 =	vadd.s32 $0xFFFFFFE6, v5  }
0x60: {  	v7 =	vadd.s32 $0xFFFFFFFC, v1;
	v5 =	vsel vm0, v8, v5;
	v8 =	vsel vm0, $0x1, v0  }
0x61: {  	v3 =	vadd.s32 v8, v3  }
0x62: {  	s5 =	sshra.s32 s31, $0x2;
	s31 =	smov.u32 s24;
	s24 =	smov.u32 s6;
	v10 =	vadd.s32 $0x10, v1;
	v9 =	vmul.u32 $0x18, v5;
	v8 =	vmul.u32 $0x270, v3  }
0x63: {  	_ =	sdelay $0x2  }
0x64: {  	v1 =	vand.u32 $0xFFFFFFF8, v1;
	[tilespmem:s5+$0x5620] =	vst v6;
	v3 =	vadd.s32 v8, v9  }
0x65: {  	v4 =	vand.u32 $0x7, v4;
	v2 =	vld.idx.msk [tilespmem:v2+s2+$0x0], $0xffff;
	v1 =	vadd.s32 v1, v3  }
0x66: {  	v1 =	vor.u32 v4, v1;
	_ =	sdelay $0x2  }
0x67: {  	s4 =	sshra.s32 s31, $0x2  }
0x68: {  	[tilespmem:s4+$0x5620] =	vst v2  }
0x69: {  	v1 =	vld.idx.msk [tilespmem:v1+s2+$0x0], $0xffff;
	_ =	sdelay $0x2  }
0x6a: {  	v5 =	vimm.s32 $0x0;
	v4 =	vimm.s32 $0x6;
	v2 =	vlaneseq.u32  }
0x6b: {  	s24 =	sshra.s32 s24, $0x2;
	v7 =	vmul.u32 $0x18, v5;
	v6 =	vmul.u32 $0x270, v4;
	v3 =	vadd.s32 $0x10, v2  }
0x6c: {  	s5 =	simm.s32 $0x5620;
	vm0 =	vgt.s32 v3, $0x13;
	[tilespmem:s24+$0x5620] =	vst v1  }
0x6d: {  	v6 =	vadd.s32 v6, v7;
	v8 =	vsel vm0, $0x1, v0;
	[tilespmem:s25], [sflag:$0x1] =	stream.indirect.gather [hbm4b:s3+s23], $0x20, s5, s23, $0xb8;
	[tilespmem:$0x19300] =	vst v63  }
0x6e: {  	v9 =	vadd.s32 $0xFFFFFFFC, v2;
	v5 =	vadd.s32 v8, v5;
	v8 =	vand.u32 $0xFFFFFFF8, v2;
	_ =	swait.ge [sflag:s1], $0x8200  }
0x6f: {  	vm13 =	vgt.s32 v5, $0x19;
	v6 =	vadd.s32 v8, v6;
	v1 =	vand.u32 $0x7, v2;
	[sflag:s1] =	ssyncset.done $0x0  }
0x70: {  	s6 =	simm.s32 $0x0;
	v7 =	vsel vm13, $0x1, v0;
	v2 =	vadd.s32 $0xFFFFFFE6, v5;
	v6 =	vor.u32 v1, v6;
	s24 =	rddreg [dreg:$0x5];
	[sflag:s1] =	ssyncadd.s32 $0xFFFF7E00  }
0x71: {  	v3 =	vsel vm0, v9, v3;
	v4 =	vadd.s32 v7, v4;
	v2 =	vsel vm13, v2, v5;
	[hbm4b:s24+s6] =	stream.linear.scatter [tilespmem:s28], [sflag:$0x4], $0x8200, $0x38;
	[tilespmem:$0x19300] =	vst v63  }
0x72: {  	v8 =	vadd.s32 $0x10, v3;
	v5 =	vmul.u32 $0x270, v4;
	v7 =	vmul.u32 $0x18, v2;
	_ =	swait.ge [sflag:s0], $0x8200  }
0x73: {  	v9 =	vand.u32 $0xFFFFFFF8, v3;
	vm14 =	vgt.s32 v8, $0x13;
	v1 =	vadd.s32 $0xFFFFFFFC, v3;
	[sflag:s0] =	ssyncset.done $0x0  }
0x74: {  	v1 =	vsel vm14, v1, v8;
	v5 =	vadd.s32 v5, v7;
	v7 =	vsel vm14, $0x1, v0;
	[sflag:s0] =	ssyncadd.s32 $0xFFFF7E00  }
0x75: {  	v8 =	vadd.s32 v7, v2;
	v2 =	vand.u32 $0x7, v3;
	v3 =	vadd.s32 v9, v5;
	v6 =	vld.idx.msk [tilespmem:v6+s2+$0x0], $0xffff  }
0x76: {  	vm15 =	vgt.s32 v8, $0x19;
	v2 =	vor.u32 v2, v3  }
0x77: {  	v3 =	vadd.s32 $0xFFFFFFE6, v8;
	v9 =	vsel vm15, $0x1, v0  }
0x78: {  	s31 =	simm.s32 $0x40;
	v10 =	vadd.s32 $0x10, v1;
	v5 =	vsel vm15, v3, v8;
	v3 =	vadd.s32 v9, v4  }
0x79: {  	s4 =	simm.s32 $0xC0;
	s5 =	simm.s32 $0x0;
	v7 =	vadd.s32 $0xFFFFFFFC, v1;
	s24 =	simm.s32 $0x80;
	v9 =	vmul.u32 $0x18, v5;
	v4 =	vmovc v1;
	v8 =	vmul.u32 $0x270, v3  }
.LBB2_8:
0x7a: {  	p0 =	sne.s32 s4, $0x1000;
	v11 =	vand.u32 $0xFFFFFFF8, v1;
	vm0 =	vgt.s32 v10, $0x13;
	[tilespmem:s5+$0x5A30] =	vst v6;
	s6 =	smov.u32 s4;
	s4 =	sadd.s32 $0x40, s4  }
0x7b: {  	v8 =	vadd.s32 v8, v9;
	v1 =	vsel vm0, v7, v10;
	v7 =	vsel vm0, $0x1, v0;
	v6 =	vld.idx.msk [tilespmem:v2+s2+$0x0], $0xffff  }
.Ltmp3:
0x7c: {  	v2 =	vand.u32 $0x7, v4;
	v8 =	vadd.s32 v11, v8;
	v5 =	vadd.s32 v7, v5;
	v4 =	vmovc v1;
	(pc) =	sbr.rel @p0 .LBB2_8-.Ltmp3, $4  }
0x7d: {  	v2 =	vor.u32 v2, v8;
	vm0 =	vgt.s32 v5, $0x19;
	v8 =	vadd.s32 $0xFFFFFFE6, v5  }
0x7e: {  	v7 =	vadd.s32 $0xFFFFFFFC, v1;
	v5 =	vsel vm0, v8, v5;
	v8 =	vsel vm0, $0x1, v0  }
0x7f: {  	v3 =	vadd.s32 v8, v3  }
0x80: {  	s5 =	sshra.s32 s31, $0x2;
	s31 =	smov.u32 s24;
	s24 =	smov.u32 s6;
	v10 =	vadd.s32 $0x10, v1;
	v9 =	vmul.u32 $0x18, v5;
	v8 =	vmul.u32 $0x270, v3  }
0x81: {  	_ =	sdelay $0x2  }
0x82: {  	v1 =	vand.u32 $0xFFFFFFF8, v1;
	[tilespmem:s5+$0x5A30] =	vst v6;
	v3 =	vadd.s32 v8, v9  }
0x83: {  	v4 =	vand.u32 $0x7, v4;
	v2 =	vld.idx.msk [tilespmem:v2+s2+$0x0], $0xffff;
	v1 =	vadd.s32 v1, v3  }
0x84: {  	v1 =	vor.u32 v4, v1;
	_ =	sdelay $0x2  }
0x85: {  	s4 =	sshra.s32 s31, $0x2  }
0x86: {  	[tilespmem:s4+$0x5A30] =	vst v2  }
0x87: {  	v1 =	vld.idx.msk [tilespmem:v1+s2+$0x0], $0xffff;
	_ =	sdelay $0x2  }
0x88: {  	v5 =	vimm.s32 $0x0;
	v4 =	vimm.s32 $0x8;
	v2 =	vlaneseq.u32  }
0x89: {  	s5 =	sshra.s32 s24, $0x2;
	v7 =	vmul.u32 $0x18, v5;
	v6 =	vmul.u32 $0x270, v4;
	v3 =	vadd.s32 $0x10, v2  }
0x8a: {  	s6 =	simm.s32 $0x5A30;
	vm0 =	vgt.s32 v3, $0x13;
	[tilespmem:s5+$0x5A30] =	vst v1  }
0x8b: {  	v6 =	vadd.s32 v6, v7;
	v8 =	vsel vm0, $0x1, v0;
	[tilespmem:s28], [sflag:$0x2] =	stream.indirect.gather [hbm4b:s3+s23], $0x20, s6, s23, $0xb8;
	[tilespmem:$0x19300] =	vst v63  }
0x8c: {  	v9 =	vadd.s32 $0xFFFFFFFC, v2;
	v5 =	vadd.s32 v8, v5;
	v8 =	vand.u32 $0xFFFFFFF8, v2;
	_ =	swait.ge [sflag:s29], $0x8200  }
0x8d: {  	vm13 =	vgt.s32 v5, $0x19;
	v6 =	vadd.s32 v8, v6;
	v1 =	vand.u32 $0x7, v2;
	[sflag:s29] =	ssyncset.done $0x0  }
0x8e: {  	s24 =	simm.s32 $0x0;
	v7 =	vsel vm13, $0x1, v0;
	v2 =	vadd.s32 $0xFFFFFFE6, v5;
	v6 =	vor.u32 v1, v6;
	[sflag:s29] =	ssyncadd.s32 $0xFFFF7E00  }
0x8f: {  	v3 =	vsel vm0, v9, v3;
	v4 =	vadd.s32 v7, v4;
	v2 =	vsel vm13, v2, v5;
	[hbm4b:s7+s24] =	stream.linear.scatter [tilespmem:s25], [sflag:$0x3], $0x8200, $0x38;
	[tilespmem:$0x19300] =	vst v63  }
0x90: {  	v8 =	vadd.s32 $0x10, v3;
	v5 =	vmul.u32 $0x270, v4;
	v7 =	vmul.u32 $0x18, v2;
	_ =	swait.ge [sflag:s30], $0x8200  }
0x91: {  	v9 =	vand.u32 $0xFFFFFFF8, v3;
	vm14 =	vgt.s32 v8, $0x13;
	v1 =	vadd.s32 $0xFFFFFFFC, v3;
	[sflag:s30] =	ssyncset.done $0x0  }
0x92: {  	v1 =	vsel vm14, v1, v8;
	v5 =	vadd.s32 v5, v7;
	v7 =	vsel vm14, $0x1, v0;
	[sflag:s30] =	ssyncadd.s32 $0xFFFF7E00  }
0x93: {  	v8 =	vadd.s32 v7, v2;
	v2 =	vand.u32 $0x7, v3;
	v3 =	vadd.s32 v9, v5;
	v6 =	vld.idx.msk [tilespmem:v6+s2+$0x0], $0xffff  }
0x94: {  	vm15 =	vgt.s32 v8, $0x19;
	v2 =	vor.u32 v2, v3  }
0x95: {  	v3 =	vadd.s32 $0xFFFFFFE6, v8;
	v9 =	vsel vm15, $0x1, v0  }
0x96: {  	s31 =	simm.s32 $0x40;
	v10 =	vadd.s32 $0x10, v1;
	v5 =	vsel vm15, v3, v8;
	v3 =	vadd.s32 v9, v4  }
0x97: {  	s4 =	simm.s32 $0xC0;
	s5 =	simm.s32 $0x0;
	v7 =	vadd.s32 $0xFFFFFFFC, v1;
	s24 =	simm.s32 $0x80;
	v9 =	vmul.u32 $0x18, v5;
	v4 =	vmovc v1;
	v8 =	vmul.u32 $0x270, v3  }
.LBB2_10:
0x98: {  	p0 =	sne.s32 s4, $0x1000;
	v11 =	vand.u32 $0xFFFFFFF8, v1;
	vm0 =	vgt.s32 v10, $0x13;
	[tilespmem:s5+$0x5E40] =	vst v6;
	s6 =	smov.u32 s4;
	s4 =	sadd.s32 $0x40, s4  }
0x99: {  	v8 =	vadd.s32 v8, v9;
	v1 =	vsel vm0, v7, v10;
	v7 =	vsel vm0, $0x1, v0;
	v6 =	vld.idx.msk [tilespmem:v2+s2+$0x0], $0xffff  }
.Ltmp4:
0x9a: {  	v2 =	vand.u32 $0x7, v4;
	v8 =	vadd.s32 v11, v8;
	v5 =	vadd.s32 v7, v5;
	v4 =	vmovc v1;
	(pc) =	sbr.rel @p0 .LBB2_10-.Ltmp4, $4  }
0x9b: {  	v2 =	vor.u32 v2, v8;
	vm0 =	vgt.s32 v5, $0x19;
	v8 =	vadd.s32 $0xFFFFFFE6, v5  }
0x9c: {  	v7 =	vadd.s32 $0xFFFFFFFC, v1;
	v5 =	vsel vm0, v8, v5;
	v8 =	vsel vm0, $0x1, v0  }
0x9d: {  	v3 =	vadd.s32 v8, v3  }
0x9e: {  	s5 =	sshra.s32 s31, $0x2;
	s31 =	smov.u32 s24;
	s24 =	smov.u32 s6;
	v10 =	vadd.s32 $0x10, v1;
	v9 =	vmul.u32 $0x18, v5;
	v8 =	vmul.u32 $0x270, v3  }
0x9f: {  	_ =	sdelay $0x2  }
0xa0: {  	v1 =	vand.u32 $0xFFFFFFF8, v1;
	[tilespmem:s5+$0x5E40] =	vst v6;
	v3 =	vadd.s32 v8, v9  }
0xa1: {  	v4 =	vand.u32 $0x7, v4;
	v2 =	vld.idx.msk [tilespmem:v2+s2+$0x0], $0xffff;
	v1 =	vadd.s32 v1, v3  }
0xa2: {  	v1 =	vor.u32 v4, v1;
	_ =	sdelay $0x2  }
0xa3: {  	s4 =	sshra.s32 s31, $0x2  }
0xa4: {  	[tilespmem:s4+$0x5E40] =	vst v2  }
0xa5: {  	v1 =	vld.idx.msk [tilespmem:v1+s2+$0x0], $0xffff;
	_ =	sdelay $0x2  }
0xa6: {  	v5 =	vimm.s32 $0x0;
	v4 =	vimm.s32 $0xA;
	v2 =	vlaneseq.u32  }
0xa7: {  	s5 =	sshra.s32 s24, $0x2;
	v7 =	vmul.u32 $0x18, v5;
	v6 =	vmul.u32 $0x270, v4;
	v3 =	vadd.s32 $0x10, v2  }
0xa8: {  	s6 =	simm.s32 $0x5E40;
	vm0 =	vgt.s32 v3, $0x13;
	[tilespmem:s5+$0x5E40] =	vst v1  }
0xa9: {  	v6 =	vadd.s32 v6, v7;
	v8 =	vsel vm0, $0x1, v0;
	[tilespmem:s25], [sflag:$0x1] =	stream.indirect.gather [hbm4b:s3+s23], $0x20, s6, s23, $0xb8;
	[tilespmem:$0x19300] =	vst v63  }
0xaa: {  	v9 =	vadd.s32 $0xFFFFFFFC, v2;
	v5 =	vadd.s32 v8, v5;
	v8 =	vand.u32 $0xFFFFFFF8, v2;
	_ =	swait.ge [sflag:s1], $0x8200  }
0xab: {  	vm13 =	vgt.s32 v5, $0x19;
	v6 =	vadd.s32 v8, v6;
	v1 =	vand.u32 $0x7, v2;
	[sflag:s1] =	ssyncset.done $0x0  }
0xac: {  	s24 =	simm.s32 $0x0;
	v7 =	vsel vm13, $0x1, v0;
	v2 =	vadd.s32 $0xFFFFFFE6, v5;
	v6 =	vor.u32 v1, v6;
	[sflag:s1] =	ssyncadd.s32 $0xFFFF7E00  }
0xad: {  	v3 =	vsel vm0, v9, v3;
	v4 =	vadd.s32 v7, v4;
	v2 =	vsel vm13, v2, v5;
	[hbm4b:s8+s24] =	stream.linear.scatter [tilespmem:s28], [sflag:$0x4], $0x8200, $0x38;
	[tilespmem:$0x19300] =	vst v63  }
0xae: {  	v8 =	vadd.s32 $0x10, v3;
	v5 =	vmul.u32 $0x270, v4;
	v7 =	vmul.u32 $0x18, v2;
	_ =	swait.ge [sflag:s0], $0x8200  }
0xaf: {  	v9 =	vand.u32 $0xFFFFFFF8, v3;
	vm14 =	vgt.s32 v8, $0x13;
	v1 =	vadd.s32 $0xFFFFFFFC, v3;
	[sflag:s0] =	ssyncset.done $0x0  }
0xb0: {  	v1 =	vsel vm14, v1, v8;
	v5 =	vadd.s32 v5, v7;
	v7 =	vsel vm14, $0x1, v0;
	[sflag:s0] =	ssyncadd.s32 $0xFFFF7E00  }
0xb1: {  	v8 =	vadd.s32 v7, v2;
	v2 =	vand.u32 $0x7, v3;
	v3 =	vadd.s32 v9, v5;
	v6 =	vld.idx.msk [tilespmem:v6+s2+$0x0], $0xffff  }
0xb2: {  	vm15 =	vgt.s32 v8, $0x19;
	v2 =	vor.u32 v2, v3  }
0xb3: {  	v3 =	vadd.s32 $0xFFFFFFE6, v8;
	v9 =	vsel vm15, $0x1, v0  }
0xb4: {  	s31 =	simm.s32 $0x40;
	v10 =	vadd.s32 $0x10, v1;
	v5 =	vsel vm15, v3, v8;
	v3 =	vadd.s32 v9, v4  }
0xb5: {  	s4 =	simm.s32 $0xC0;
	s5 =	simm.s32 $0x0;
	v7 =	vadd.s32 $0xFFFFFFFC, v1;
	s24 =	simm.s32 $0x80;
	v9 =	vmul.u32 $0x18, v5;
	v4 =	vmovc v1;
	v8 =	vmul.u32 $0x270, v3  }
.LBB2_12:
0xb6: {  	p0 =	sne.s32 s4, $0x1000;
	v11 =	vand.u32 $0xFFFFFFF8, v1;
	vm0 =	vgt.s32 v10, $0x13;
	[tilespmem:s5+$0x6250] =	vst v6;
	s6 =	smov.u32 s4;
	s4 =	sadd.s32 $0x40, s4  }
0xb7: {  	v8 =	vadd.s32 v8, v9;
	v1 =	vsel vm0, v7, v10;
	v7 =	vsel vm0, $0x1, v0;
	v6 =	vld.idx.msk [tilespmem:v2+s2+$0x0], $0xffff  }
.Ltmp5:
0xb8: {  	v2 =	vand.u32 $0x7, v4;
	v8 =	vadd.s32 v11, v8;
	v5 =	vadd.s32 v7, v5;
	v4 =	vmovc v1;
	(pc) =	sbr.rel @p0 .LBB2_12-.Ltmp5, $4  }
0xb9: {  	v2 =	vor.u32 v2, v8;
	vm0 =	vgt.s32 v5, $0x19;
	v8 =	vadd.s32 $0xFFFFFFE6, v5  }
0xba: {  	v7 =	vadd.s32 $0xFFFFFFFC, v1;
	v5 =	vsel vm0, v8, v5;
	v8 =	vsel vm0, $0x1, v0  }
0xbb: {  	v3 =	vadd.s32 v8, v3  }
0xbc: {  	s5 =	sshra.s32 s31, $0x2;
	s31 =	smov.u32 s24;
	s24 =	smov.u32 s6;
	v10 =	vadd.s32 $0x10, v1;
	v9 =	vmul.u32 $0x18, v5;
	v8 =	vmul.u32 $0x270, v3  }
0xbd: {  	_ =	sdelay $0x2  }
0xbe: {  	v1 =	vand.u32 $0xFFFFFFF8, v1;
	[tilespmem:s5+$0x6250] =	vst v6;
	v3 =	vadd.s32 v8, v9  }
0xbf: {  	v4 =	vand.u32 $0x7, v4;
	v2 =	vld.idx.msk [tilespmem:v2+s2+$0x0], $0xffff;
	v1 =	vadd.s32 v1, v3  }
0xc0: {  	v1 =	vor.u32 v4, v1;
	_ =	sdelay $0x2  }
0xc1: {  	s4 =	sshra.s32 s31, $0x2  }
0xc2: {  	[tilespmem:s4+$0x6250] =	vst v2  }
0xc3: {  	v1 =	vld.idx.msk [tilespmem:v1+s2+$0x0], $0xffff;
	_ =	sdelay $0x2  }
0xc4: {  	v5 =	vimm.s32 $0x0;
	v4 =	vimm.s32 $0xC;
	v2 =	vlaneseq.u32  }
0xc5: {  	s5 =	sshra.s32 s24, $0x2;
	v7 =	vmul.u32 $0x18, v5;
	v6 =	vmul.u32 $0x270, v4;
	v3 =	vadd.s32 $0x10, v2  }
0xc6: {  	s6 =	simm.s32 $0x6250;
	vm0 =	vgt.s32 v3, $0x13;
	[tilespmem:s5+$0x6250] =	vst v1  }
0xc7: {  	v6 =	vadd.s32 v6, v7;
	v8 =	vsel vm0, $0x1, v0;
	[tilespmem:s28], [sflag:$0x2] =	stream.indirect.gather [hbm4b:s3+s23], $0x20, s6, s23, $0xb8;
	[tilespmem:$0x19300] =	vst v63  }
0xc8: {  	v9 =	vadd.s32 $0xFFFFFFFC, v2;
	v5 =	vadd.s32 v8, v5;
	v8 =	vand.u32 $0xFFFFFFF8, v2;
	_ =	swait.ge [sflag:s29], $0x8200  }
0xc9: {  	vm13 =	vgt.s32 v5, $0x19;
	v6 =	vadd.s32 v8, v6;
	v1 =	vand.u32 $0x7, v2;
	[sflag:s29] =	ssyncset.done $0x0  }
0xca: {  	s24 =	simm.s32 $0x0;
	v7 =	vsel vm13, $0x1, v0;
	v2 =	vadd.s32 $0xFFFFFFE6, v5;
	v6 =	vor.u32 v1, v6;
	[sflag:s29] =	ssyncadd.s32 $0xFFFF7E00  }
0xcb: {  	v3 =	vsel vm0, v9, v3;
	v4 =	vadd.s32 v7, v4;
	v2 =	vsel vm13, v2, v5;
	[hbm4b:s9+s24] =	stream.linear.scatter [tilespmem:s25], [sflag:$0x3], $0x8200, $0x38;
	[tilespmem:$0x19300] =	vst v63  }
0xcc: {  	v8 =	vadd.s32 $0x10, v3;
	v5 =	vmul.u32 $0x270, v4;
	v7 =	vmul.u32 $0x18, v2;
	_ =	swait.ge [sflag:s30], $0x8200  }
0xcd: {  	v9 =	vand.u32 $0xFFFFFFF8, v3;
	vm14 =	vgt.s32 v8, $0x13;
	v1 =	vadd.s32 $0xFFFFFFFC, v3;
	[sflag:s30] =	ssyncset.done $0x0  }
0xce: {  	v1 =	vsel vm14, v1, v8;
	v5 =	vadd.s32 v5, v7;
	v7 =	vsel vm14, $0x1, v0;
	[sflag:s30] =	ssyncadd.s32 $0xFFFF7E00  }
0xcf: {  	v8 =	vadd.s32 v7, v2;
	v2 =	vand.u32 $0x7, v3;
	v3 =	vadd.s32 v9, v5;
	v6 =	vld.idx.msk [tilespmem:v6+s2+$0x0], $0xffff  }
0xd0: {  	vm15 =	vgt.s32 v8, $0x19;
	v2 =	vor.u32 v2, v3  }
0xd1: {  	v3 =	vadd.s32 $0xFFFFFFE6, v8;
	v9 =	vsel vm15, $0x1, v0  }
0xd2: {  	s31 =	simm.s32 $0x40;
	v10 =	vadd.s32 $0x10, v1;
	v5 =	vsel vm15, v3, v8;
	v3 =	vadd.s32 v9, v4  }
0xd3: {  	s4 =	simm.s32 $0xC0;
	s5 =	simm.s32 $0x0;
	v7 =	vadd.s32 $0xFFFFFFFC, v1;
	s24 =	simm.s32 $0x80;
	v9 =	vmul.u32 $0x18, v5;
	v4 =	vmovc v1;
	v8 =	vmul.u32 $0x270, v3  }
.LBB2_14:
0xd4: {  	p0 =	sne.s32 s4, $0x1000;
	v11 =	vand.u32 $0xFFFFFFF8, v1;
	vm0 =	vgt.s32 v10, $0x13;
	[tilespmem:s5+$0x6660] =	vst v6;
	s6 =	smov.u32 s4;
	s4 =	sadd.s32 $0x40, s4  }
0xd5: {  	v8 =	vadd.s32 v8, v9;
	v1 =	vsel vm0, v7, v10;
	v7 =	vsel vm0, $0x1, v0;
	v6 =	vld.idx.msk [tilespmem:v2+s2+$0x0], $0xffff  }
.Ltmp6:
0xd6: {  	v2 =	vand.u32 $0x7, v4;
	v8 =	vadd.s32 v11, v8;
	v5 =	vadd.s32 v7, v5;
	v4 =	vmovc v1;
	(pc) =	sbr.rel @p0 .LBB2_14-.Ltmp6, $4  }
0xd7: {  	v2 =	vor.u32 v2, v8;
	vm0 =	vgt.s32 v5, $0x19;
	v8 =	vadd.s32 $0xFFFFFFE6, v5  }
0xd8: {  	v7 =	vadd.s32 $0xFFFFFFFC, v1;
	v5 =	vsel vm0, v8, v5;
	v8 =	vsel vm0, $0x1, v0  }
0xd9: {  	v3 =	vadd.s32 v8, v3  }
0xda: {  	s5 =	sshra.s32 s31, $0x2;
	s31 =	smov.u32 s24;
	s24 =	smov.u32 s6;
	v10 =	vadd.s32 $0x10, v1;
	v9 =	vmul.u32 $0x18, v5;
	v8 =	vmul.u32 $0x270, v3  }
0xdb: {  	_ =	sdelay $0x2  }
0xdc: {  	v1 =	vand.u32 $0xFFFFFFF8, v1;
	[tilespmem:s5+$0x6660] =	vst v6;
	v3 =	vadd.s32 v8, v9  }
0xdd: {  	v4 =	vand.u32 $0x7, v4;
	v2 =	vld.idx.msk [tilespmem:v2+s2+$0x0], $0xffff;
	v1 =	vadd.s32 v1, v3  }
0xde: {  	v1 =	vor.u32 v4, v1;
	_ =	sdelay $0x2  }
0xdf: {  	s4 =	sshra.s32 s31, $0x2  }
0xe0: {  	[tilespmem:s4+$0x6660] =	vst v2  }
0xe1: {  	v1 =	vld.idx.msk [tilespmem:v1+s2+$0x0], $0xffff;
	_ =	sdelay $0x2  }
0xe2: {  	v5 =	vimm.s32 $0x0;
	v4 =	vimm.s32 $0xE;
	v2 =	vlaneseq.u32  }
0xe3: {  	s5 =	sshra.s32 s24, $0x2;
	v7 =	vmul.u32 $0x18, v5;
	v6 =	vmul.u32 $0x270, v4;
	v3 =	vadd.s32 $0x10, v2  }
0xe4: {  	s6 =	simm.s32 $0x6660;
	vm0 =	vgt.s32 v3, $0x13;
	[tilespmem:s5+$0x6660] =	vst v1  }
0xe5: {  	v6 =	vadd.s32 v6, v7;
	v8 =	vsel vm0, $0x1, v0;
	[tilespmem:s25], [sflag:$0x1] =	stream.indirect.gather [hbm4b:s3+s23], $0x20, s6, s23, $0xb8;
	[tilespmem:$0x19300] =	vst v63  }
0xe6: {  	v9 =	vadd.s32 $0xFFFFFFFC, v2;
	v5 =	vadd.s32 v8, v5;
	v8 =	vand.u32 $0xFFFFFFF8, v2;
	_ =	swait.ge [sflag:s1], $0x8200  }
0xe7: {  	vm13 =	vgt.s32 v5, $0x19;
	v6 =	vadd.s32 v8, v6;
	v1 =	vand.u32 $0x7, v2;
	[sflag:s1] =	ssyncset.done $0x0  }
0xe8: {  	s24 =	simm.s32 $0x0;
	v7 =	vsel vm13, $0x1, v0;
	v2 =	vadd.s32 $0xFFFFFFE6, v5;
	v6 =	vor.u32 v1, v6;
	[sflag:s1] =	ssyncadd.s32 $0xFFFF7E00  }
0xe9: {  	v3 =	vsel vm0, v9, v3;
	v4 =	vadd.s32 v7, v4;
	v2 =	vsel vm13, v2, v5;
	[hbm4b:s10+s24] =	stream.linear.scatter [tilespmem:s28], [sflag:$0x4], $0x8200, $0x38;
	[tilespmem:$0x19300] =	vst v63  }
0xea: {  	v8 =	vadd.s32 $0x10, v3;
	v5 =	vmul.u32 $0x270, v4;
	v7 =	vmul.u32 $0x18, v2;
	_ =	swait.ge [sflag:s0], $0x8200  }
0xeb: {  	v9 =	vand.u32 $0xFFFFFFF8, v3;
	vm14 =	vgt.s32 v8, $0x13;
	v1 =	vadd.s32 $0xFFFFFFFC, v3;
	[sflag:s0] =	ssyncset.done $0x0  }
0xec: {  	v1 =	vsel vm14, v1, v8;
	v5 =	vadd.s32 v5, v7;
	v7 =	vsel vm14, $0x1, v0;
	[sflag:s0] =	ssyncadd.s32 $0xFFFF7E00  }
0xed: {  	v8 =	vadd.s32 v7, v2;
	v2 =	vand.u32 $0x7, v3;
	v3 =	vadd.s32 v9, v5;
	v6 =	vld.idx.msk [tilespmem:v6+s2+$0x0], $0xffff  }
0xee: {  	vm15 =	vgt.s32 v8, $0x19;
	v2 =	vor.u32 v2, v3  }
0xef: {  	v3 =	vadd.s32 $0xFFFFFFE6, v8;
	v9 =	vsel vm15, $0x1, v0  }
0xf0: {  	s31 =	simm.s32 $0x40;
	v10 =	vadd.s32 $0x10, v1;
	v5 =	vsel vm15, v3, v8;
	v3 =	vadd.s32 v9, v4  }
0xf1: {  	s4 =	simm.s32 $0xC0;
	s5 =	simm.s32 $0x0;
	v7 =	vadd.s32 $0xFFFFFFFC, v1;
	s24 =	simm.s32 $0x80;
	v9 =	vmul.u32 $0x18, v5;
	v4 =	vmovc v1;
	v8 =	vmul.u32 $0x270, v3  }
.LBB2_16:
0xf2: {  	p0 =	sne.s32 s4, $0x1000;
	v11 =	vand.u32 $0xFFFFFFF8, v1;
	vm0 =	vgt.s32 v10, $0x13;
	[tilespmem:s5+$0x6A70] =	vst v6;
	s6 =	smov.u32 s4;
	s4 =	sadd.s32 $0x40, s4  }
0xf3: {  	v8 =	vadd.s32 v8, v9;
	v1 =	vsel vm0, v7, v10;
	v7 =	vsel vm0, $0x1, v0;
	v6 =	vld.idx.msk [tilespmem:v2+s2+$0x0], $0xffff  }
.Ltmp7:
0xf4: {  	v2 =	vand.u32 $0x7, v4;
	v8 =	vadd.s32 v11, v8;
	v5 =	vadd.s32 v7, v5;
	v4 =	vmovc v1;
	(pc) =	sbr.rel @p0 .LBB2_16-.Ltmp7, $4  }
0xf5: {  	v2 =	vor.u32 v2, v8;
	vm0 =	vgt.s32 v5, $0x19;
	v8 =	vadd.s32 $0xFFFFFFE6, v5  }
0xf6: {  	v7 =	vadd.s32 $0xFFFFFFFC, v1;
	v5 =	vsel vm0, v8, v5;
	v8 =	vsel vm0, $0x1, v0  }
0xf7: {  	v3 =	vadd.s32 v8, v3  }
0xf8: {  	s5 =	sshra.s32 s31, $0x2;
	s31 =	smov.u32 s24;
	s24 =	smov.u32 s6;
	v10 =	vadd.s32 $0x10, v1;
	v9 =	vmul.u32 $0x18, v5;
	v8 =	vmul.u32 $0x270, v3  }
0xf9: {  	_ =	sdelay $0x2  }
0xfa: {  	v1 =	vand.u32 $0xFFFFFFF8, v1;
	[tilespmem:s5+$0x6A70] =	vst v6;
	v3 =	vadd.s32 v8, v9  }
0xfb: {  	v4 =	vand.u32 $0x7, v4;
	v2 =	vld.idx.msk [tilespmem:v2+s2+$0x0], $0xffff;
	v1 =	vadd.s32 v1, v3  }
0xfc: {  	v1 =	vor.u32 v4, v1;
	_ =	sdelay $0x2  }
0xfd: {  	s4 =	sshra.s32 s31, $0x2  }
0xfe: {  	[tilespmem:s4+$0x6A70] =	vst v2  }
0xff: {  	v1 =	vld.idx.msk [tilespmem:v1+s2+$0x0], $0xffff;
	_ =	sdelay $0x2  }
0x100: {  	v5 =	vimm.s32 $0x0;
	v4 =	vimm.s32 $0x10;
	v2 =	vlaneseq.u32  }
0x101: {  	s5 =	sshra.s32 s24, $0x2;
	v7 =	vmul.u32 $0x18, v5;
	v6 =	vmul.u32 $0x270, v4;
	v3 =	vadd.s32 $0x10, v2  }
0x102: {  	s6 =	simm.s32 $0x6A70;
	vm0 =	vgt.s32 v3, $0x13;
	[tilespmem:s5+$0x6A70] =	vst v1  }
0x103: {  	v6 =	vadd.s32 v6, v7;
	v8 =	vsel vm0, $0x1, v0;
	[tilespmem:s28], [sflag:$0x2] =	stream.indirect.gather [hbm4b:s3+s23], $0x20, s6, s23, $0xb8;
	[tilespmem:$0x19300] =	vst v63  }
0x104: {  	v9 =	vadd.s32 $0xFFFFFFFC, v2;
	v5 =	vadd.s32 v8, v5;
	v8 =	vand.u32 $0xFFFFFFF8, v2;
	_ =	swait.ge [sflag:s29], $0x8200  }
0x105: {  	vm13 =	vgt.s32 v5, $0x19;
	v6 =	vadd.s32 v8, v6;
	v1 =	vand.u32 $0x7, v2;
	[sflag:s29] =	ssyncset.done $0x0  }
0x106: {  	s24 =	simm.s32 $0x0;
	v7 =	vsel vm13, $0x1, v0;
	v2 =	vadd.s32 $0xFFFFFFE6, v5;
	v6 =	vor.u32 v1, v6;
	[sflag:s29] =	ssyncadd.s32 $0xFFFF7E00  }
0x107: {  	v3 =	vsel vm0, v9, v3;
	v4 =	vadd.s32 v7, v4;
	v2 =	vsel vm13, v2, v5;
	[hbm4b:s11+s24] =	stream.linear.scatter [tilespmem:s25], [sflag:$0x3], $0x8200, $0x38;
	[tilespmem:$0x19300] =	vst v63  }
0x108: {  	v8 =	vadd.s32 $0x10, v3;
	v5 =	vmul.u32 $0x270, v4;
	v7 =	vmul.u32 $0x18, v2;
	_ =	swait.ge [sflag:s30], $0x8200  }
0x109: {  	v9 =	vand.u32 $0xFFFFFFF8, v3;
	vm14 =	vgt.s32 v8, $0x13;
	v1 =	vadd.s32 $0xFFFFFFFC, v3;
	[sflag:s30] =	ssyncset.done $0x0  }
0x10a: {  	v1 =	vsel vm14, v1, v8;
	v5 =	vadd.s32 v5, v7;
	v7 =	vsel vm14, $0x1, v0;
	[sflag:s30] =	ssyncadd.s32 $0xFFFF7E00  }
0x10b: {  	v8 =	vadd.s32 v7, v2;
	v2 =	vand.u32 $0x7, v3;
	v3 =	vadd.s32 v9, v5;
	v6 =	vld.idx.msk [tilespmem:v6+s2+$0x0], $0xffff  }
0x10c: {  	vm15 =	vgt.s32 v8, $0x19;
	v2 =	vor.u32 v2, v3  }
0x10d: {  	v3 =	vadd.s32 $0xFFFFFFE6, v8;
	v9 =	vsel vm15, $0x1, v0  }
0x10e: {  	s31 =	simm.s32 $0x40;
	v10 =	vadd.s32 $0x10, v1;
	v5 =	vsel vm15, v3, v8;
	v3 =	vadd.s32 v9, v4  }
0x10f: {  	s4 =	simm.s32 $0xC0;
	s5 =	simm.s32 $0x0;
	v7 =	vadd.s32 $0xFFFFFFFC, v1;
	s24 =	simm.s32 $0x80;
	v9 =	vmul.u32 $0x18, v5;
	v4 =	vmovc v1;
	v8 =	vmul.u32 $0x270, v3  }
.LBB2_18:
0x110: {  	p0 =	sne.s32 s4, $0x1000;
	v11 =	vand.u32 $0xFFFFFFF8, v1;
	vm0 =	vgt.s32 v10, $0x13;
	[tilespmem:s5+$0x6E80] =	vst v6;
	s6 =	smov.u32 s4;
	s4 =	sadd.s32 $0x40, s4  }
0x111: {  	v8 =	vadd.s32 v8, v9;
	v1 =	vsel vm0, v7, v10;
	v7 =	vsel vm0, $0x1, v0;
	v6 =	vld.idx.msk [tilespmem:v2+s2+$0x0], $0xffff  }
.Ltmp8:
0x112: {  	v2 =	vand.u32 $0x7, v4;
	v8 =	vadd.s32 v11, v8;
	v5 =	vadd.s32 v7, v5;
	v4 =	vmovc v1;
	(pc) =	sbr.rel @p0 .LBB2_18-.Ltmp8, $4  }
0x113: {  	v2 =	vor.u32 v2, v8;
	vm0 =	vgt.s32 v5, $0x19;
	v8 =	vadd.s32 $0xFFFFFFE6, v5  }
0x114: {  	v7 =	vadd.s32 $0xFFFFFFFC, v1;
	v5 =	vsel vm0, v8, v5;
	v8 =	vsel vm0, $0x1, v0  }
0x115: {  	v3 =	vadd.s32 v8, v3  }
0x116: {  	s5 =	sshra.s32 s31, $0x2;
	s31 =	smov.u32 s24;
	s24 =	smov.u32 s6;
	v10 =	vadd.s32 $0x10, v1;
	v9 =	vmul.u32 $0x18, v5;
	v8 =	vmul.u32 $0x270, v3  }
0x117: {  	_ =	sdelay $0x2  }
0x118: {  	v1 =	vand.u32 $0xFFFFFFF8, v1;
	[tilespmem:s5+$0x6E80] =	vst v6;
	v3 =	vadd.s32 v8, v9  }
0x119: {  	v4 =	vand.u32 $0x7, v4;
	v2 =	vld.idx.msk [tilespmem:v2+s2+$0x0], $0xffff;
	v1 =	vadd.s32 v1, v3  }
0x11a: {  	v1 =	vor.u32 v4, v1;
	_ =	sdelay $0x2  }
0x11b: {  	s4 =	sshra.s32 s31, $0x2  }
0x11c: {  	[tilespmem:s4+$0x6E80] =	vst v2  }
0x11d: {  	v1 =	vld.idx.msk [tilespmem:v1+s2+$0x0], $0xffff;
	_ =	sdelay $0x2  }
0x11e: {  	v5 =	vimm.s32 $0x0;
	v4 =	vimm.s32 $0x12;
	v2 =	vlaneseq.u32  }
0x11f: {  	s5 =	sshra.s32 s24, $0x2;
	v7 =	vmul.u32 $0x18, v5;
	v6 =	vmul.u32 $0x270, v4;
	v3 =	vadd.s32 $0x10, v2  }
0x120: {  	s6 =	simm.s32 $0x6E80;
	vm0 =	vgt.s32 v3, $0x13;
	[tilespmem:s5+$0x6E80] =	vst v1  }
0x121: {  	v6 =	vadd.s32 v6, v7;
	v8 =	vsel vm0, $0x1, v0;
	[tilespmem:s25], [sflag:$0x1] =	stream.indirect.gather [hbm4b:s3+s23], $0x20, s6, s23, $0xb8;
	[tilespmem:$0x19300] =	vst v63  }
0x122: {  	v9 =	vadd.s32 $0xFFFFFFFC, v2;
	v5 =	vadd.s32 v8, v5;
	v8 =	vand.u32 $0xFFFFFFF8, v2;
	_ =	swait.ge [sflag:s1], $0x8200  }
0x123: {  	vm13 =	vgt.s32 v5, $0x19;
	v6 =	vadd.s32 v8, v6;
	v1 =	vand.u32 $0x7, v2;
	[sflag:s1] =	ssyncset.done $0x0  }
0x124: {  	s24 =	simm.s32 $0x0;
	v7 =	vsel vm13, $0x1, v0;
	v2 =	vadd.s32 $0xFFFFFFE6, v5;
	v6 =	vor.u32 v1, v6;
	[sflag:s1] =	ssyncadd.s32 $0xFFFF7E00  }
0x125: {  	v3 =	vsel vm0, v9, v3;
	v4 =	vadd.s32 v7, v4;
	v2 =	vsel vm13, v2, v5;
	[hbm4b:s12+s24] =	stream.linear.scatter [tilespmem:s28], [sflag:$0x4], $0x8200, $0x38;
	[tilespmem:$0x19300] =	vst v63  }
0x126: {  	v8 =	vadd.s32 $0x10, v3;
	v5 =	vmul.u32 $0x270, v4;
	v7 =	vmul.u32 $0x18, v2;
	_ =	swait.ge [sflag:s0], $0x8200  }
0x127: {  	v9 =	vand.u32 $0xFFFFFFF8, v3;
	vm14 =	vgt.s32 v8, $0x13;
	v1 =	vadd.s32 $0xFFFFFFFC, v3;
	[sflag:s0] =	ssyncset.done $0x0  }
0x128: {  	v1 =	vsel vm14, v1, v8;
	v5 =	vadd.s32 v5, v7;
	v7 =	vsel vm14, $0x1, v0;
	[sflag:s0] =	ssyncadd.s32 $0xFFFF7E00  }
0x129: {  	v8 =	vadd.s32 v7, v2;
	v2 =	vand.u32 $0x7, v3;
	v3 =	vadd.s32 v9, v5;
	v6 =	vld.idx.msk [tilespmem:v6+s2+$0x0], $0xffff  }
0x12a: {  	vm15 =	vgt.s32 v8, $0x19;
	v2 =	vor.u32 v2, v3  }
0x12b: {  	v3 =	vadd.s32 $0xFFFFFFE6, v8;
	v9 =	vsel vm15, $0x1, v0  }
0x12c: {  	s31 =	simm.s32 $0x40;
	v10 =	vadd.s32 $0x10, v1;
	v5 =	vsel vm15, v3, v8;
	v3 =	vadd.s32 v9, v4  }
0x12d: {  	s4 =	simm.s32 $0xC0;
	s5 =	simm.s32 $0x0;
	v7 =	vadd.s32 $0xFFFFFFFC, v1;
	s24 =	simm.s32 $0x80;
	v9 =	vmul.u32 $0x18, v5;
	v4 =	vmovc v1;
	v8 =	vmul.u32 $0x270, v3  }
.LBB2_20:
0x12e: {  	p0 =	sne.s32 s4, $0x1000;
	v11 =	vand.u32 $0xFFFFFFF8, v1;
	vm0 =	vgt.s32 v10, $0x13;
	[tilespmem:s5+$0x7290] =	vst v6;
	s6 =	smov.u32 s4;
	s4 =	sadd.s32 $0x40, s4  }
0x12f: {  	v8 =	vadd.s32 v8, v9;
	v1 =	vsel vm0, v7, v10;
	v7 =	vsel vm0, $0x1, v0;
	v6 =	vld.idx.msk [tilespmem:v2+s2+$0x0], $0xffff  }
.Ltmp9:
0x130: {  	v2 =	vand.u32 $0x7, v4;
	v8 =	vadd.s32 v11, v8;
	v5 =	vadd.s32 v7, v5;
	v4 =	vmovc v1;
	(pc) =	sbr.rel @p0 .LBB2_20-.Ltmp9, $4  }
0x131: {  	v2 =	vor.u32 v2, v8;
	vm0 =	vgt.s32 v5, $0x19;
	v8 =	vadd.s32 $0xFFFFFFE6, v5  }
0x132: {  	v7 =	vadd.s32 $0xFFFFFFFC, v1;
	v5 =	vsel vm0, v8, v5;
	v8 =	vsel vm0, $0x1, v0  }
0x133: {  	v3 =	vadd.s32 v8, v3  }
0x134: {  	s5 =	sshra.s32 s31, $0x2;
	s31 =	smov.u32 s24;
	s24 =	smov.u32 s6;
	v10 =	vadd.s32 $0x10, v1;
	v9 =	vmul.u32 $0x18, v5;
	v8 =	vmul.u32 $0x270, v3  }
0x135: {  	_ =	sdelay $0x2  }
0x136: {  	v1 =	vand.u32 $0xFFFFFFF8, v1;
	[tilespmem:s5+$0x7290] =	vst v6;
	v3 =	vadd.s32 v8, v9  }
0x137: {  	v4 =	vand.u32 $0x7, v4;
	v2 =	vld.idx.msk [tilespmem:v2+s2+$0x0], $0xffff;
	v1 =	vadd.s32 v1, v3  }
0x138: {  	v1 =	vor.u32 v4, v1;
	_ =	sdelay $0x2  }
0x139: {  	s4 =	sshra.s32 s31, $0x2  }
0x13a: {  	[tilespmem:s4+$0x7290] =	vst v2  }
0x13b: {  	v1 =	vld.idx.msk [tilespmem:v1+s2+$0x0], $0xffff;
	_ =	sdelay $0x2  }
0x13c: {  	v5 =	vimm.s32 $0x0;
	v4 =	vimm.s32 $0x14;
	v2 =	vlaneseq.u32  }
0x13d: {  	s5 =	sshra.s32 s24, $0x2;
	v7 =	vmul.u32 $0x18, v5;
	v6 =	vmul.u32 $0x270, v4;
	v3 =	vadd.s32 $0x10, v2  }
0x13e: {  	s6 =	simm.s32 $0x7290;
	vm0 =	vgt.s32 v3, $0x13;
	[tilespmem:s5+$0x7290] =	vst v1  }
0x13f: {  	v6 =	vadd.s32 v6, v7;
	v8 =	vsel vm0, $0x1, v0;
	[tilespmem:s28], [sflag:$0x2] =	stream.indirect.gather [hbm4b:s3+s23], $0x20, s6, s23, $0xb8;
	[tilespmem:$0x19300] =	vst v63  }
0x140: {  	v9 =	vadd.s32 $0xFFFFFFFC, v2;
	v5 =	vadd.s32 v8, v5;
	v8 =	vand.u32 $0xFFFFFFF8, v2;
	_ =	swait.ge [sflag:s29], $0x8200  }
0x141: {  	vm13 =	vgt.s32 v5, $0x19;
	v6 =	vadd.s32 v8, v6;
	v1 =	vand.u32 $0x7, v2;
	[sflag:s29] =	ssyncset.done $0x0  }
0x142: {  	s24 =	simm.s32 $0x0;
	v7 =	vsel vm13, $0x1, v0;
	v2 =	vadd.s32 $0xFFFFFFE6, v5;
	v6 =	vor.u32 v1, v6;
	[sflag:s29] =	ssyncadd.s32 $0xFFFF7E00  }
0x143: {  	v3 =	vsel vm0, v9, v3;
	v4 =	vadd.s32 v7, v4;
	v2 =	vsel vm13, v2, v5;
	[hbm4b:s13+s24] =	stream.linear.scatter [tilespmem:s25], [sflag:$0x3], $0x8200, $0x38;
	[tilespmem:$0x19300] =	vst v63  }
0x144: {  	v8 =	vadd.s32 $0x10, v3;
	v5 =	vmul.u32 $0x270, v4;
	v7 =	vmul.u32 $0x18, v2;
	_ =	swait.ge [sflag:s30], $0x8200  }
0x145: {  	v9 =	vand.u32 $0xFFFFFFF8, v3;
	vm14 =	vgt.s32 v8, $0x13;
	v1 =	vadd.s32 $0xFFFFFFFC, v3;
	[sflag:s30] =	ssyncset.done $0x0  }
0x146: {  	v1 =	vsel vm14, v1, v8;
	v5 =	vadd.s32 v5, v7;
	v7 =	vsel vm14, $0x1, v0;
	[sflag:s30] =	ssyncadd.s32 $0xFFFF7E00  }
0x147: {  	v8 =	vadd.s32 v7, v2;
	v2 =	vand.u32 $0x7, v3;
	v3 =	vadd.s32 v9, v5;
	v6 =	vld.idx.msk [tilespmem:v6+s2+$0x0], $0xffff  }
0x148: {  	vm15 =	vgt.s32 v8, $0x19;
	v2 =	vor.u32 v2, v3  }
0x149: {  	v3 =	vadd.s32 $0xFFFFFFE6, v8;
	v9 =	vsel vm15, $0x1, v0  }
0x14a: {  	s31 =	simm.s32 $0x40;
	v10 =	vadd.s32 $0x10, v1;
	v5 =	vsel vm15, v3, v8;
	v3 =	vadd.s32 v9, v4  }
0x14b: {  	s4 =	simm.s32 $0xC0;
	s5 =	simm.s32 $0x0;
	v7 =	vadd.s32 $0xFFFFFFFC, v1;
	s24 =	simm.s32 $0x80;
	v9 =	vmul.u32 $0x18, v5;
	v4 =	vmovc v1;
	v8 =	vmul.u32 $0x270, v3  }
.LBB2_22:
0x14c: {  	p0 =	sne.s32 s4, $0x1000;
	v11 =	vand.u32 $0xFFFFFFF8, v1;
	vm0 =	vgt.s32 v10, $0x13;
	[tilespmem:s5+$0x76A0] =	vst v6;
	s6 =	smov.u32 s4;
	s4 =	sadd.s32 $0x40, s4  }
0x14d: {  	v8 =	vadd.s32 v8, v9;
	v1 =	vsel vm0, v7, v10;
	v7 =	vsel vm0, $0x1, v0;
	v6 =	vld.idx.msk [tilespmem:v2+s2+$0x0], $0xffff  }
.Ltmp10:
0x14e: {  	v2 =	vand.u32 $0x7, v4;
	v8 =	vadd.s32 v11, v8;
	v5 =	vadd.s32 v7, v5;
	v4 =	vmovc v1;
	(pc) =	sbr.rel @p0 .LBB2_22-.Ltmp10, $4  }
0x14f: {  	v2 =	vor.u32 v2, v8;
	vm0 =	vgt.s32 v5, $0x19;
	v8 =	vadd.s32 $0xFFFFFFE6, v5  }
0x150: {  	v7 =	vadd.s32 $0xFFFFFFFC, v1;
	v5 =	vsel vm0, v8, v5;
	v8 =	vsel vm0, $0x1, v0  }
0x151: {  	v3 =	vadd.s32 v8, v3  }
0x152: {  	s5 =	sshra.s32 s31, $0x2;
	s31 =	smov.u32 s24;
	s24 =	smov.u32 s6;
	v10 =	vadd.s32 $0x10, v1;
	v9 =	vmul.u32 $0x18, v5;
	v8 =	vmul.u32 $0x270, v3  }
0x153: {  	_ =	sdelay $0x2  }
0x154: {  	v1 =	vand.u32 $0xFFFFFFF8, v1;
	[tilespmem:s5+$0x76A0] =	vst v6;
	v3 =	vadd.s32 v8, v9  }
0x155: {  	v4 =	vand.u32 $0x7, v4;
	v2 =	vld.idx.msk [tilespmem:v2+s2+$0x0], $0xffff;
	v1 =	vadd.s32 v1, v3  }
0x156: {  	v1 =	vor.u32 v4, v1;
	_ =	sdelay $0x2  }
0x157: {  	s4 =	sshra.s32 s31, $0x2  }
0x158: {  	[tilespmem:s4+$0x76A0] =	vst v2  }
0x159: {  	v1 =	vld.idx.msk [tilespmem:v1+s2+$0x0], $0xffff;
	_ =	sdelay $0x2  }
0x15a: {  	v5 =	vimm.s32 $0x0;
	v4 =	vimm.s32 $0x16;
	v2 =	vlaneseq.u32  }
0x15b: {  	s5 =	sshra.s32 s24, $0x2;
	v7 =	vmul.u32 $0x18, v5;
	v6 =	vmul.u32 $0x270, v4;
	v3 =	vadd.s32 $0x10, v2  }
0x15c: {  	s6 =	simm.s32 $0x76A0;
	vm0 =	vgt.s32 v3, $0x13;
	[tilespmem:s5+$0x76A0] =	vst v1  }
0x15d: {  	v6 =	vadd.s32 v6, v7;
	v8 =	vsel vm0, $0x1, v0;
	[tilespmem:s25], [sflag:$0x1] =	stream.indirect.gather [hbm4b:s3+s23], $0x20, s6, s23, $0xb8;
	[tilespmem:$0x19300] =	vst v63  }
0x15e: {  	v9 =	vadd.s32 $0xFFFFFFFC, v2;
	v5 =	vadd.s32 v8, v5;
	v8 =	vand.u32 $0xFFFFFFF8, v2;
	_ =	swait.ge [sflag:s1], $0x8200  }
0x15f: {  	vm13 =	vgt.s32 v5, $0x19;
	v6 =	vadd.s32 v8, v6;
	v1 =	vand.u32 $0x7, v2;
	[sflag:s1] =	ssyncset.done $0x0  }
0x160: {  	s24 =	simm.s32 $0x0;
	v7 =	vsel vm13, $0x1, v0;
	v2 =	vadd.s32 $0xFFFFFFE6, v5;
	v6 =	vor.u32 v1, v6;
	[sflag:s1] =	ssyncadd.s32 $0xFFFF7E00  }
0x161: {  	v3 =	vsel vm0, v9, v3;
	v4 =	vadd.s32 v7, v4;
	v2 =	vsel vm13, v2, v5;
	[hbm4b:s14+s24] =	stream.linear.scatter [tilespmem:s28], [sflag:$0x4], $0x8200, $0x38;
	[tilespmem:$0x19300] =	vst v63  }
0x162: {  	v8 =	vadd.s32 $0x10, v3;
	v5 =	vmul.u32 $0x270, v4;
	v7 =	vmul.u32 $0x18, v2;
	_ =	swait.ge [sflag:s0], $0x8200  }
0x163: {  	v9 =	vand.u32 $0xFFFFFFF8, v3;
	vm14 =	vgt.s32 v8, $0x13;
	v1 =	vadd.s32 $0xFFFFFFFC, v3;
	[sflag:s0] =	ssyncset.done $0x0  }
0x164: {  	v1 =	vsel vm14, v1, v8;
	v5 =	vadd.s32 v5, v7;
	v7 =	vsel vm14, $0x1, v0;
	[sflag:s0] =	ssyncadd.s32 $0xFFFF7E00  }
0x165: {  	v8 =	vadd.s32 v7, v2;
	v2 =	vand.u32 $0x7, v3;
	v3 =	vadd.s32 v9, v5;
	v6 =	vld.idx.msk [tilespmem:v6+s2+$0x0], $0xffff  }
0x166: {  	vm15 =	vgt.s32 v8, $0x19;
	v2 =	vor.u32 v2, v3  }
0x167: {  	v3 =	vadd.s32 $0xFFFFFFE6, v8;
	v9 =	vsel vm15, $0x1, v0  }
0x168: {  	s31 =	simm.s32 $0x40;
	v10 =	vadd.s32 $0x10, v1;
	v5 =	vsel vm15, v3, v8;
	v3 =	vadd.s32 v9, v4  }
0x169: {  	s4 =	simm.s32 $0xC0;
	s5 =	simm.s32 $0x0;
	v7 =	vadd.s32 $0xFFFFFFFC, v1;
	s24 =	simm.s32 $0x80;
	v9 =	vmul.u32 $0x18, v5;
	v4 =	vmovc v1;
	v8 =	vmul.u32 $0x270, v3  }
.LBB2_24:
0x16a: {  	p0 =	sne.s32 s4, $0x1000;
	v11 =	vand.u32 $0xFFFFFFF8, v1;
	vm0 =	vgt.s32 v10, $0x13;
	[tilespmem:s5+$0x7AB0] =	vst v6;
	s6 =	smov.u32 s4;
	s4 =	sadd.s32 $0x40, s4  }
0x16b: {  	v8 =	vadd.s32 v8, v9;
	v1 =	vsel vm0, v7, v10;
	v7 =	vsel vm0, $0x1, v0;
	v6 =	vld.idx.msk [tilespmem:v2+s2+$0x0], $0xffff  }
.Ltmp11:
0x16c: {  	v2 =	vand.u32 $0x7, v4;
	v8 =	vadd.s32 v11, v8;
	v5 =	vadd.s32 v7, v5;
	v4 =	vmovc v1;
	(pc) =	sbr.rel @p0 .LBB2_24-.Ltmp11, $4  }
0x16d: {  	v2 =	vor.u32 v2, v8;
	vm0 =	vgt.s32 v5, $0x19;
	v8 =	vadd.s32 $0xFFFFFFE6, v5  }
0x16e: {  	v7 =	vadd.s32 $0xFFFFFFFC, v1;
	v5 =	vsel vm0, v8, v5;
	v8 =	vsel vm0, $0x1, v0  }
0x16f: {  	v3 =	vadd.s32 v8, v3  }
0x170: {  	s5 =	sshra.s32 s31, $0x2;
	s31 =	smov.u32 s24;
	s24 =	smov.u32 s6;
	v10 =	vadd.s32 $0x10, v1;
	v9 =	vmul.u32 $0x18, v5;
	v8 =	vmul.u32 $0x270, v3  }
0x171: {  	_ =	sdelay $0x2  }
0x172: {  	v1 =	vand.u32 $0xFFFFFFF8, v1;
	[tilespmem:s5+$0x7AB0] =	vst v6;
	v3 =	vadd.s32 v8, v9  }
0x173: {  	v4 =	vand.u32 $0x7, v4;
	v2 =	vld.idx.msk [tilespmem:v2+s2+$0x0], $0xffff;
	v1 =	vadd.s32 v1, v3  }
0x174: {  	v1 =	vor.u32 v4, v1;
	_ =	sdelay $0x2  }
0x175: {  	s4 =	sshra.s32 s31, $0x2  }
0x176: {  	[tilespmem:s4+$0x7AB0] =	vst v2  }
0x177: {  	v1 =	vld.idx.msk [tilespmem:v1+s2+$0x0], $0xffff;
	_ =	sdelay $0x2  }
0x178: {  	v5 =	vimm.s32 $0x0;
	v4 =	vimm.s32 $0x18;
	v2 =	vlaneseq.u32  }
0x179: {  	s5 =	sshra.s32 s24, $0x2;
	v7 =	vmul.u32 $0x18, v5;
	v6 =	vmul.u32 $0x270, v4;
	v3 =	vadd.s32 $0x10, v2  }
0x17a: {  	s6 =	simm.s32 $0x7AB0;
	vm0 =	vgt.s32 v3, $0x13;
	[tilespmem:s5+$0x7AB0] =	vst v1  }
0x17b: {  	v6 =	vadd.s32 v6, v7;
	v8 =	vsel vm0, $0x1, v0;
	[tilespmem:s28], [sflag:$0x2] =	stream.indirect.gather [hbm4b:s3+s23], $0x20, s6, s23, $0xb8;
	[tilespmem:$0x19300] =	vst v63  }
0x17c: {  	v9 =	vadd.s32 $0xFFFFFFFC, v2;
	v5 =	vadd.s32 v8, v5;
	v8 =	vand.u32 $0xFFFFFFF8, v2;
	_ =	swait.ge [sflag:s29], $0x8200  }
0x17d: {  	vm13 =	vgt.s32 v5, $0x19;
	v6 =	vadd.s32 v8, v6;
	v1 =	vand.u32 $0x7, v2;
	[sflag:s29] =	ssyncset.done $0x0  }
0x17e: {  	s24 =	simm.s32 $0x0;
	v7 =	vsel vm13, $0x1, v0;
	v2 =	vadd.s32 $0xFFFFFFE6, v5;
	v6 =	vor.u32 v1, v6;
	[sflag:s29] =	ssyncadd.s32 $0xFFFF7E00  }
0x17f: {  	v3 =	vsel vm0, v9, v3;
	v4 =	vadd.s32 v7, v4;
	v2 =	vsel vm13, v2, v5;
	[hbm4b:s15+s24] =	stream.linear.scatter [tilespmem:s25], [sflag:$0x3], $0x8200, $0x38;
	[tilespmem:$0x19300] =	vst v63  }
0x180: {  	v8 =	vadd.s32 $0x10, v3;
	v5 =	vmul.u32 $0x270, v4;
	v7 =	vmul.u32 $0x18, v2;
	_ =	swait.ge [sflag:s30], $0x8200  }
0x181: {  	v9 =	vand.u32 $0xFFFFFFF8, v3;
	vm14 =	vgt.s32 v8, $0x13;
	v1 =	vadd.s32 $0xFFFFFFFC, v3;
	[sflag:s30] =	ssyncset.done $0x0  }
0x182: {  	v1 =	vsel vm14, v1, v8;
	v5 =	vadd.s32 v5, v7;
	v7 =	vsel vm14, $0x1, v0;
	[sflag:s30] =	ssyncadd.s32 $0xFFFF7E00  }
0x183: {  	v8 =	vadd.s32 v7, v2;
	v2 =	vand.u32 $0x7, v3;
	v3 =	vadd.s32 v9, v5;
	v6 =	vld.idx.msk [tilespmem:v6+s2+$0x0], $0xffff  }
0x184: {  	vm15 =	vgt.s32 v8, $0x19;
	v2 =	vor.u32 v2, v3  }
0x185: {  	v3 =	vadd.s32 $0xFFFFFFE6, v8;
	v9 =	vsel vm15, $0x1, v0  }
0x186: {  	s31 =	simm.s32 $0x40;
	v10 =	vadd.s32 $0x10, v1;
	v5 =	vsel vm15, v3, v8;
	v3 =	vadd.s32 v9, v4  }
0x187: {  	s4 =	simm.s32 $0xC0;
	s5 =	simm.s32 $0x0;
	v7 =	vadd.s32 $0xFFFFFFFC, v1;
	s24 =	simm.s32 $0x80;
	v9 =	vmul.u32 $0x18, v5;
	v4 =	vmovc v1;
	v8 =	vmul.u32 $0x270, v3  }
.LBB2_26:
0x188: {  	p0 =	sne.s32 s4, $0x1000;
	v11 =	vand.u32 $0xFFFFFFF8, v1;
	vm0 =	vgt.s32 v10, $0x13;
	[tilespmem:s5+$0x7EC0] =	vst v6;
	s6 =	smov.u32 s4;
	s4 =	sadd.s32 $0x40, s4  }
0x189: {  	v8 =	vadd.s32 v8, v9;
	v1 =	vsel vm0, v7, v10;
	v7 =	vsel vm0, $0x1, v0;
	v6 =	vld.idx.msk [tilespmem:v2+s2+$0x0], $0xffff  }
.Ltmp12:
0x18a: {  	v2 =	vand.u32 $0x7, v4;
	v8 =	vadd.s32 v11, v8;
	v5 =	vadd.s32 v7, v5;
	v4 =	vmovc v1;
	(pc) =	sbr.rel @p0 .LBB2_26-.Ltmp12, $4  }
0x18b: {  	v2 =	vor.u32 v2, v8;
	vm0 =	vgt.s32 v5, $0x19;
	v8 =	vadd.s32 $0xFFFFFFE6, v5  }
0x18c: {  	v7 =	vadd.s32 $0xFFFFFFFC, v1;
	v5 =	vsel vm0, v8, v5;
	v8 =	vsel vm0, $0x1, v0  }
0x18d: {  	v3 =	vadd.s32 v8, v3  }
0x18e: {  	s5 =	sshra.s32 s31, $0x2;
	s31 =	smov.u32 s24;
	s24 =	smov.u32 s6;
	v10 =	vadd.s32 $0x10, v1;
	v9 =	vmul.u32 $0x18, v5;
	v8 =	vmul.u32 $0x270, v3  }
0x18f: {  	_ =	sdelay $0x2  }
0x190: {  	v1 =	vand.u32 $0xFFFFFFF8, v1;
	[tilespmem:s5+$0x7EC0] =	vst v6;
	v3 =	vadd.s32 v8, v9  }
0x191: {  	v4 =	vand.u32 $0x7, v4;
	v2 =	vld.idx.msk [tilespmem:v2+s2+$0x0], $0xffff;
	v1 =	vadd.s32 v1, v3  }
0x192: {  	v1 =	vor.u32 v4, v1;
	_ =	sdelay $0x2  }
0x193: {  	s4 =	sshra.s32 s31, $0x2  }
0x194: {  	[tilespmem:s4+$0x7EC0] =	vst v2  }
0x195: {  	v1 =	vld.idx.msk [tilespmem:v1+s2+$0x0], $0xffff;
	_ =	sdelay $0x2  }
0x196: {  	v5 =	vimm.s32 $0x0;
	v4 =	vimm.s32 $0x1A;
	v2 =	vlaneseq.u32  }
0x197: {  	s5 =	sshra.s32 s24, $0x2;
	v7 =	vmul.u32 $0x18, v5;
	v6 =	vmul.u32 $0x270, v4;
	v3 =	vadd.s32 $0x10, v2  }
0x198: {  	s6 =	simm.s32 $0x7EC0;
	vm0 =	vgt.s32 v3, $0x13;
	[tilespmem:s5+$0x7EC0] =	vst v1  }
0x199: {  	v6 =	vadd.s32 v6, v7;
	v8 =	vsel vm0, $0x1, v0;
	[tilespmem:s25], [sflag:$0x1] =	stream.indirect.gather [hbm4b:s3+s23], $0x20, s6, s23, $0xb8;
	[tilespmem:$0x19300] =	vst v63  }
0x19a: {  	v9 =	vadd.s32 $0xFFFFFFFC, v2;
	v5 =	vadd.s32 v8, v5;
	v8 =	vand.u32 $0xFFFFFFF8, v2;
	_ =	swait.ge [sflag:s1], $0x8200  }
0x19b: {  	vm13 =	vgt.s32 v5, $0x19;
	v6 =	vadd.s32 v8, v6;
	v1 =	vand.u32 $0x7, v2;
	[sflag:s1] =	ssyncset.done $0x0  }
0x19c: {  	s24 =	simm.s32 $0x0;
	v7 =	vsel vm13, $0x1, v0;
	v2 =	vadd.s32 $0xFFFFFFE6, v5;
	v6 =	vor.u32 v1, v6;
	[sflag:s1] =	ssyncadd.s32 $0xFFFF7E00  }
0x19d: {  	v3 =	vsel vm0, v9, v3;
	v4 =	vadd.s32 v7, v4;
	v2 =	vsel vm13, v2, v5;
	[hbm4b:s16+s24] =	stream.linear.scatter [tilespmem:s28], [sflag:$0x4], $0x8200, $0x38;
	[tilespmem:$0x19300] =	vst v63  }
0x19e: {  	v8 =	vadd.s32 $0x10, v3;
	v5 =	vmul.u32 $0x270, v4;
	v7 =	vmul.u32 $0x18, v2;
	_ =	swait.ge [sflag:s0], $0x8200  }
0x19f: {  	v9 =	vand.u32 $0xFFFFFFF8, v3;
	vm14 =	vgt.s32 v8, $0x13;
	v1 =	vadd.s32 $0xFFFFFFFC, v3;
	[sflag:s0] =	ssyncset.done $0x0  }
0x1a0: {  	v1 =	vsel vm14, v1, v8;
	v5 =	vadd.s32 v5, v7;
	v7 =	vsel vm14, $0x1, v0;
	[sflag:s0] =	ssyncadd.s32 $0xFFFF7E00  }
0x1a1: {  	v8 =	vadd.s32 v7, v2;
	v2 =	vand.u32 $0x7, v3;
	v3 =	vadd.s32 v9, v5;
	v6 =	vld.idx.msk [tilespmem:v6+s2+$0x0], $0xffff  }
0x1a2: {  	vm15 =	vgt.s32 v8, $0x19;
	v2 =	vor.u32 v2, v3  }
0x1a3: {  	v3 =	vadd.s32 $0xFFFFFFE6, v8;
	v9 =	vsel vm15, $0x1, v0  }
0x1a4: {  	s31 =	simm.s32 $0x40;
	v10 =	vadd.s32 $0x10, v1;
	v5 =	vsel vm15, v3, v8;
	v3 =	vadd.s32 v9, v4  }
0x1a5: {  	s4 =	simm.s32 $0xC0;
	s5 =	simm.s32 $0x0;
	v7 =	vadd.s32 $0xFFFFFFFC, v1;
	s24 =	simm.s32 $0x80;
	v9 =	vmul.u32 $0x18, v5;
	v4 =	vmovc v1;
	v8 =	vmul.u32 $0x270, v3  }
.LBB2_28:
0x1a6: {  	p0 =	sne.s32 s4, $0x1000;
	v11 =	vand.u32 $0xFFFFFFF8, v1;
	vm0 =	vgt.s32 v10, $0x13;
	[tilespmem:s5+$0x82D0] =	vst v6;
	s6 =	smov.u32 s4;
	s4 =	sadd.s32 $0x40, s4  }
0x1a7: {  	v8 =	vadd.s32 v8, v9;
	v1 =	vsel vm0, v7, v10;
	v7 =	vsel vm0, $0x1, v0;
	v6 =	vld.idx.msk [tilespmem:v2+s2+$0x0], $0xffff  }
.Ltmp13:
0x1a8: {  	v2 =	vand.u32 $0x7, v4;
	v8 =	vadd.s32 v11, v8;
	v5 =	vadd.s32 v7, v5;
	v4 =	vmovc v1;
	(pc) =	sbr.rel @p0 .LBB2_28-.Ltmp13, $4  }
0x1a9: {  	v2 =	vor.u32 v2, v8;
	vm0 =	vgt.s32 v5, $0x19;
	v8 =	vadd.s32 $0xFFFFFFE6, v5  }
0x1aa: {  	v7 =	vadd.s32 $0xFFFFFFFC, v1;
	v5 =	vsel vm0, v8, v5;
	v8 =	vsel vm0, $0x1, v0  }
0x1ab: {  	v3 =	vadd.s32 v8, v3  }
0x1ac: {  	s5 =	sshra.s32 s31, $0x2;
	s31 =	smov.u32 s24;
	s24 =	smov.u32 s6;
	v10 =	vadd.s32 $0x10, v1;
	v9 =	vmul.u32 $0x18, v5;
	v8 =	vmul.u32 $0x270, v3  }
0x1ad: {  	_ =	sdelay $0x2  }
0x1ae: {  	v1 =	vand.u32 $0xFFFFFFF8, v1;
	[tilespmem:s5+$0x82D0] =	vst v6;
	v3 =	vadd.s32 v8, v9  }
0x1af: {  	v4 =	vand.u32 $0x7, v4;
	v2 =	vld.idx.msk [tilespmem:v2+s2+$0x0], $0xffff;
	v1 =	vadd.s32 v1, v3  }
0x1b0: {  	v1 =	vor.u32 v4, v1;
	_ =	sdelay $0x2  }
0x1b1: {  	s4 =	sshra.s32 s31, $0x2  }
0x1b2: {  	[tilespmem:s4+$0x82D0] =	vst v2  }
0x1b3: {  	v1 =	vld.idx.msk [tilespmem:v1+s2+$0x0], $0xffff;
	_ =	sdelay $0x2  }
0x1b4: {  	v5 =	vimm.s32 $0x0;
	v4 =	vimm.s32 $0x1C;
	v2 =	vlaneseq.u32  }
0x1b5: {  	s5 =	sshra.s32 s24, $0x2;
	v7 =	vmul.u32 $0x18, v5;
	v6 =	vmul.u32 $0x270, v4;
	v3 =	vadd.s32 $0x10, v2  }
0x1b6: {  	s6 =	simm.s32 $0x82D0;
	vm0 =	vgt.s32 v3, $0x13;
	[tilespmem:s5+$0x82D0] =	vst v1  }
0x1b7: {  	v6 =	vadd.s32 v6, v7;
	v8 =	vsel vm0, $0x1, v0;
	[tilespmem:s28], [sflag:$0x2] =	stream.indirect.gather [hbm4b:s3+s23], $0x20, s6, s23, $0xb8;
	[tilespmem:$0x19300] =	vst v63  }
0x1b8: {  	v9 =	vadd.s32 $0xFFFFFFFC, v2;
	v5 =	vadd.s32 v8, v5;
	v8 =	vand.u32 $0xFFFFFFF8, v2;
	_ =	swait.ge [sflag:s29], $0x8200  }
0x1b9: {  	vm13 =	vgt.s32 v5, $0x19;
	v6 =	vadd.s32 v8, v6;
	v1 =	vand.u32 $0x7, v2;
	[sflag:s29] =	ssyncset.done $0x0  }
0x1ba: {  	s24 =	simm.s32 $0x0;
	v7 =	vsel vm13, $0x1, v0;
	v2 =	vadd.s32 $0xFFFFFFE6, v5;
	v6 =	vor.u32 v1, v6;
	[sflag:s29] =	ssyncadd.s32 $0xFFFF7E00  }
0x1bb: {  	v3 =	vsel vm0, v9, v3;
	v4 =	vadd.s32 v7, v4;
	v2 =	vsel vm13, v2, v5;
	[hbm4b:s17+s24] =	stream.linear.scatter [tilespmem:s25], [sflag:$0x3], $0x8200, $0x38;
	[tilespmem:$0x19300] =	vst v63  }
0x1bc: {  	v8 =	vadd.s32 $0x10, v3;
	v5 =	vmul.u32 $0x270, v4;
	v7 =	vmul.u32 $0x18, v2;
	_ =	swait.ge [sflag:s30], $0x8200  }
0x1bd: {  	v9 =	vand.u32 $0xFFFFFFF8, v3;
	vm14 =	vgt.s32 v8, $0x13;
	v1 =	vadd.s32 $0xFFFFFFFC, v3;
	[sflag:s30] =	ssyncset.done $0x0  }
0x1be: {  	v1 =	vsel vm14, v1, v8;
	v5 =	vadd.s32 v5, v7;
	v7 =	vsel vm14, $0x1, v0;
	[sflag:s30] =	ssyncadd.s32 $0xFFFF7E00  }
0x1bf: {  	v8 =	vadd.s32 v7, v2;
	v2 =	vand.u32 $0x7, v3;
	v3 =	vadd.s32 v9, v5;
	v6 =	vld.idx.msk [tilespmem:v6+s2+$0x0], $0xffff  }
0x1c0: {  	vm15 =	vgt.s32 v8, $0x19;
	v2 =	vor.u32 v2, v3  }
0x1c1: {  	v3 =	vadd.s32 $0xFFFFFFE6, v8;
	v9 =	vsel vm15, $0x1, v0  }
0x1c2: {  	s31 =	simm.s32 $0x40;
	v10 =	vadd.s32 $0x10, v1;
	v5 =	vsel vm15, v3, v8;
	v3 =	vadd.s32 v9, v4  }
0x1c3: {  	s4 =	simm.s32 $0xC0;
	s5 =	simm.s32 $0x0;
	v7 =	vadd.s32 $0xFFFFFFFC, v1;
	s24 =	simm.s32 $0x80;
	v9 =	vmul.u32 $0x18, v5;
	v4 =	vmovc v1;
	v8 =	vmul.u32 $0x270, v3  }
.LBB2_30:
0x1c4: {  	p0 =	sne.s32 s4, $0x1000;
	v11 =	vand.u32 $0xFFFFFFF8, v1;
	vm0 =	vgt.s32 v10, $0x13;
	[tilespmem:s5+$0x86E0] =	vst v6;
	s6 =	smov.u32 s4;
	s4 =	sadd.s32 $0x40, s4  }
0x1c5: {  	v8 =	vadd.s32 v8, v9;
	v1 =	vsel vm0, v7, v10;
	v7 =	vsel vm0, $0x1, v0;
	v6 =	vld.idx.msk [tilespmem:v2+s2+$0x0], $0xffff  }
.Ltmp14:
0x1c6: {  	v2 =	vand.u32 $0x7, v4;
	v8 =	vadd.s32 v11, v8;
	v5 =	vadd.s32 v7, v5;
	v4 =	vmovc v1;
	(pc) =	sbr.rel @p0 .LBB2_30-.Ltmp14, $4  }
0x1c7: {  	v2 =	vor.u32 v2, v8;
	vm0 =	vgt.s32 v5, $0x19;
	v8 =	vadd.s32 $0xFFFFFFE6, v5  }
0x1c8: {  	v7 =	vadd.s32 $0xFFFFFFFC, v1;
	v5 =	vsel vm0, v8, v5;
	v8 =	vsel vm0, $0x1, v0  }
0x1c9: {  	v3 =	vadd.s32 v8, v3  }
0x1ca: {  	s5 =	sshra.s32 s31, $0x2;
	s31 =	smov.u32 s24;
	s24 =	smov.u32 s6;
	v10 =	vadd.s32 $0x10, v1;
	v9 =	vmul.u32 $0x18, v5;
	v8 =	vmul.u32 $0x270, v3  }
0x1cb: {  	_ =	sdelay $0x2  }
0x1cc: {  	v1 =	vand.u32 $0xFFFFFFF8, v1;
	[tilespmem:s5+$0x86E0] =	vst v6;
	v3 =	vadd.s32 v8, v9  }
0x1cd: {  	v4 =	vand.u32 $0x7, v4;
	v2 =	vld.idx.msk [tilespmem:v2+s2+$0x0], $0xffff;
	v1 =	vadd.s32 v1, v3  }
0x1ce: {  	v1 =	vor.u32 v4, v1;
	_ =	sdelay $0x2  }
0x1cf: {  	s4 =	sshra.s32 s31, $0x2  }
0x1d0: {  	[tilespmem:s4+$0x86E0] =	vst v2  }
0x1d1: {  	v1 =	vld.idx.msk [tilespmem:v1+s2+$0x0], $0xffff;
	_ =	sdelay $0x2  }
0x1d2: {  	v5 =	vimm.s32 $0x0;
	v4 =	vimm.s32 $0x1E;
	v2 =	vlaneseq.u32  }
0x1d3: {  	s5 =	sshra.s32 s24, $0x2;
	v7 =	vmul.u32 $0x18, v5;
	v6 =	vmul.u32 $0x270, v4;
	v3 =	vadd.s32 $0x10, v2  }
0x1d4: {  	s6 =	simm.s32 $0x86E0;
	vm0 =	vgt.s32 v3, $0x13;
	[tilespmem:s5+$0x86E0] =	vst v1  }
0x1d5: {  	v6 =	vadd.s32 v6, v7;
	v8 =	vsel vm0, $0x1, v0;
	[tilespmem:s25], [sflag:$0x1] =	stream.indirect.gather [hbm4b:s3+s23], $0x20, s6, s23, $0xb8;
	[tilespmem:$0x19300] =	vst v63  }
0x1d6: {  	v9 =	vadd.s32 $0xFFFFFFFC, v2;
	v5 =	vadd.s32 v8, v5;
	v8 =	vand.u32 $0xFFFFFFF8, v2;
	_ =	swait.ge [sflag:s1], $0x8200  }
0x1d7: {  	vm13 =	vgt.s32 v5, $0x19;
	v6 =	vadd.s32 v8, v6;
	v1 =	vand.u32 $0x7, v2;
	[sflag:s1] =	ssyncset.done $0x0  }
0x1d8: {  	s24 =	simm.s32 $0x0;
	v7 =	vsel vm13, $0x1, v0;
	v2 =	vadd.s32 $0xFFFFFFE6, v5;
	v6 =	vor.u32 v1, v6;
	[sflag:s1] =	ssyncadd.s32 $0xFFFF7E00  }
0x1d9: {  	v3 =	vsel vm0, v9, v3;
	v4 =	vadd.s32 v7, v4;
	v2 =	vsel vm13, v2, v5;
	[hbm4b:s18+s24] =	stream.linear.scatter [tilespmem:s28], [sflag:$0x4], $0x8200, $0x38;
	[tilespmem:$0x19300] =	vst v63  }
0x1da: {  	v8 =	vadd.s32 $0x10, v3;
	v5 =	vmul.u32 $0x270, v4;
	v7 =	vmul.u32 $0x18, v2;
	_ =	swait.ge [sflag:s0], $0x8200  }
0x1db: {  	v9 =	vand.u32 $0xFFFFFFF8, v3;
	vm14 =	vgt.s32 v8, $0x13;
	v1 =	vadd.s32 $0xFFFFFFFC, v3;
	[sflag:s0] =	ssyncset.done $0x0  }
0x1dc: {  	v1 =	vsel vm14, v1, v8;
	v5 =	vadd.s32 v5, v7;
	v7 =	vsel vm14, $0x1, v0;
	[sflag:s0] =	ssyncadd.s32 $0xFFFF7E00  }
0x1dd: {  	v8 =	vadd.s32 v7, v2;
	v2 =	vand.u32 $0x7, v3;
	v3 =	vadd.s32 v9, v5;
	v6 =	vld.idx.msk [tilespmem:v6+s2+$0x0], $0xffff  }
0x1de: {  	vm15 =	vgt.s32 v8, $0x19;
	v2 =	vor.u32 v2, v3  }
0x1df: {  	v3 =	vadd.s32 $0xFFFFFFE6, v8;
	v9 =	vsel vm15, $0x1, v0  }
0x1e0: {  	s31 =	simm.s32 $0x80;
	v10 =	vadd.s32 $0x10, v1;
	v5 =	vsel vm15, v3, v8;
	v3 =	vadd.s32 v9, v4  }
0x1e1: {  	s4 =	simm.s32 $0xC0;
	s5 =	simm.s32 $0x0;
	s24 =	simm.s32 $0x40;
	v7 =	vadd.s32 $0xFFFFFFFC, v1;
	v9 =	vmul.u32 $0x18, v5;
	v4 =	vmovc v1;
	v8 =	vmul.u32 $0x270, v3  }
.LBB2_32:
0x1e2: {  	p0 =	sne.s32 s4, $0x1000;
	v11 =	vand.u32 $0xFFFFFFF8, v1;
	vm0 =	vgt.s32 v10, $0x13;
	[tilespmem:s5+$0x8AF0] =	vst v6;
	s6 =	smov.u32 s4;
	s4 =	sadd.s32 $0x40, s4  }
0x1e3: {  	v8 =	vadd.s32 v8, v9;
	v1 =	vsel vm0, v7, v10;
	v7 =	vsel vm0, $0x1, v0;
	v6 =	vld.idx.msk [tilespmem:v2+s2+$0x0], $0xffff  }
.Ltmp15:
0x1e4: {  	v2 =	vand.u32 $0x7, v4;
	v8 =	vadd.s32 v11, v8;
	v5 =	vadd.s32 v7, v5;
	v4 =	vmovc v1;
	(pc) =	sbr.rel @p0 .LBB2_32-.Ltmp15, $4  }
0x1e5: {  	v2 =	vor.u32 v2, v8;
	vm0 =	vgt.s32 v5, $0x19;
	v8 =	vadd.s32 $0xFFFFFFE6, v5  }
0x1e6: {  	v7 =	vadd.s32 $0xFFFFFFFC, v1;
	v5 =	vsel vm0, v8, v5;
	v8 =	vsel vm0, $0x1, v0  }
0x1e7: {  	v3 =	vadd.s32 v8, v3  }
0x1e8: {  	s5 =	sshra.s32 s24, $0x2;
	s24 =	smov.u32 s31;
	s31 =	smov.u32 s6;
	v10 =	vadd.s32 $0x10, v1;
	v9 =	vmul.u32 $0x18, v5;
	v8 =	vmul.u32 $0x270, v3  }
0x1e9: {  	_ =	sdelay $0x2  }
0x1ea: {  	v1 =	vand.u32 $0xFFFFFFF8, v1;
	[tilespmem:s5+$0x8AF0] =	vst v6;
	v3 =	vadd.s32 v8, v9  }
0x1eb: {  	v4 =	vand.u32 $0x7, v4;
	v2 =	vld.idx.msk [tilespmem:v2+s2+$0x0], $0xffff;
	v1 =	vadd.s32 v1, v3  }
0x1ec: {  	v1 =	vor.u32 v4, v1;
	_ =	sdelay $0x2  }
0x1ed: {  	s4 =	sshra.s32 s24, $0x2  }
0x1ee: {  	[tilespmem:s4+$0x8AF0] =	vst v2  }
0x1ef: {  	v1 =	vld.idx.msk [tilespmem:v1+s2+$0x0], $0xffff;
	_ =	sdelay $0x3  }
0x1f0: {  	s24 =	sshra.s32 s31, $0x2  }
0x1f1: {  	s31 =	simm.s32 $0x8AF0;
	[tilespmem:s24+$0x8AF0] =	vst v1  }
0x1f2: {  	[tilespmem:s28], [sflag:$0x2] =	stream.indirect.gather [hbm4b:s3+s23], $0x20, s31, s23, $0xb8;
	[tilespmem:$0x19300] =	vst v63  }
0x1f3: {  	_ =	swait.ge [sflag:s29], $0x8200  }
0x1f4: {  	[sflag:s29] =	ssyncset.done $0x0  }
0x1f5: {  	[sflag:s29] =	ssyncadd.s32 $0xFFFF7E00  }
0x1f6: {  	[hbm4b:s19+s2] =	stream.linear.scatter [tilespmem:s25], [sflag:$0x3], $0x8200, $0x38;
	[tilespmem:$0x19300] =	vst v63  }
0x1f7: {  	_ =	swait.ge [sflag:s1], $0x8200  }
0x1f8: {  	[sflag:s1] =	ssyncset.done $0x0  }
0x1f9: {  	s26 =	sadd.s32 $0x1, s26;
	[sflag:s1] =	ssyncadd.s32 $0xFFFF7E00  }
0x1fa: {  	[hbm4b:s20+s2] =	stream.linear.scatter [tilespmem:s28], [sflag:$0x4], $0x8200, $0x38;
	[tilespmem:$0x19300] =	vst v63  }
0x1fb: {  	p0 =	sne.s32 s26, s21;
	_ =	swait.ge [sflag:s30], $0x8200  }
.Ltmp16:
0x1fc: {  	[sflag:s30] =	ssyncset.done $0x0;
	(pc) =	sbr.rel @p0 .LBB2_1-.Ltmp16, $4  }
0x1fd: {  	[sflag:s30] =	ssyncadd.s32 $0xFFFF7E00  }
0x1fe: {  	_ =	swait.ge [sflag:s0], $0x8200  }
0x1ff: {  	[sflag:s0] =	ssyncset.done $0x0  }
0x200: {  	[sflag:s0] =	ssyncadd.s32 $0xFFFF7E00  }
0x201: {  	_ =	sfence.sel $0x180000  }
0x202: {  	[bflag:$0x0] =	sbarrier.arrive $0xFFFF  }
0x203: {  	_ =	strace $0x90000047  }
0x204: {  	s0 =	stileid.u32;
	[bflag:$0x2] =	sbarrier.arrive $0xFFFF  }
0x205: {  	p0 =	sne.s32 s0, $0x0;
	s0 =	rddreg [dreg:$0x2]  }
0x206: {  	s0 =	sadd.s32 @!p0 $0x100000, s0  }
0x207: {  	[sflag:s0] =	ssyncadd.tile.s32 @!p0 $0x1;
	_ =	shalt  }
.Lfunc_end2:
_tile_overlayer_lowered:
.L_overlay_start_2:
0x208: {  	(tag) =	ssettag $0x2  }
0x209: {  	s0 =	rddreg [dreg:$0x0];
	s2 =	stileid.u32  }
0x20a: {  	s1 =	rddreg [dreg:$0x1];
	p0 =	sne.s32 s2, $0x0  }
0x20b: {  	s3 =	rddreg [dreg:$0x2];
	[bflag:$0x3] =	sbarrier.arrive $0xFFFF;
	s2 =	simm.s32 @!p0 $0x1C05  }
0x20c: {  	[timem:s3], [sflag:s2] =	dma.local @!p0 [hbm:s0], s1  }
0x20d: {  	s0 =	simm.s32 @!p0 $0x5  }
0x20e: {  	_ =	swait.ge @!p0 [sflag:s0], s1  }
0x20f: {  	s1 =	ssub.s32 @!p0 $0x0, s1;
	[sflag:s0] =	ssyncset.done @!p0 $0x0  }
0x210: {  	[sflag:s0] =	ssyncadd.s32 @!p0 s1  }
0x211: {  	[bflag:$0x3] =	sbarrier.arrive $0xFFFF  }
0x212: {  	_ =	shalt  }

// kernel: sparse-core-data-format-call.cloned.1.call-start
scs
called_computation_lowered:
.L_overlay_start_0:
0x0: {  	s2 =	sld [smem:$0x3FD9]  }
0x1: {  	s3 =	sld [smem:$0x3FFE];
	_ =	sdelay $0x1  }
0x2: {  	s1 =	srdreg.scid  }
0x3: {  	s0 =	sand.u32 $0x1, s1  }
0x4: {  	s18 =	sshll.u32 s0, $0xA;
	s2 =	sadd.s32 s3, s2  }
0x5: {  	s2 =	sadd.s32 s2, s18  }
0x6: {  	[smem:$0x3FC6] =	sst s2  }
0x7: {  	_ = 	snop  }
0x8: {  	s2 =	sld [smem:$0x3FD0];
	(tm) =	ssettm $0x1  }
0x9: {  	s19 =	sld [smem:$0x3FFB];
	_ =	sdelay $0x3  }
0xa: {  	_ =	strace s19  }
0xb: {  	s3 =	sld [smem:$0x3FFC];
	_ =	sdelay $0x3  }
0xc: {  	_ =	strace s3  }
0xd: {  	s3 =	sld [smem:$0x3FFD];
	_ =	sdelay $0x3  }
0xe: {  	_ =	strace s3  }
0xf: {  	_ =	strace $0x8FFFFFFF  }
0x10: {  	s20 =	sld [smem:$0x3FDB];
	_ =	sdelay $0x1  }
0x11: {  	s4 =	simm.s32 $_scs_section_size  }
0x12: {  	s5 =	simm.s32 $_size__tile_overlayer_lowered;
	s6 =	simm.s32 $_tile_overlayer_lowered  }
0x13: {  	s23 =	simm.s32 $0x1BFF;
	s22 =	sshll.u32 s6, $0x1;
	s3 =	sadd.s32 s4, s20  }
0x14: {  	s7 =	simm.s32 $0x0;
	s21 =	sshll.u32 s5, $0x1;
	s5 =	sadd.s32 s22, s3  }
0x15: {  	[timem:s7], [sflag:s23] =	dma.local [hbm:s5], s21  }
0x16: {  	_ =	swait.ge [sflag:s23], s21  }
0x17: {  	s4 =	ssub.s32 $0x0, s21;
	[sflag:s23] =	ssyncset.done $0x0  }
0x18: {  	[sflag:s23] =	ssyncadd.s32 s4;
	_ =	sdelay $0x1  }
0x19: {  	s24 =	simm.s32 $0x1B8B  }
0x1a: {  	_ =	swait.ge [sflag:s24], $0x1  }
0x1b: {  	[sflag:s24] =	ssyncset.done $0x0  }
0x1c: {  	s26 =	simm.s32 $0x1B8E;
	s25 =	sld [smem:$0x3FFE];
	[sflag:s24] =	ssyncadd.s32 $0xFFFFFFFF  }
0x1d: {  	s27 =	simm.s32 $execute0_lowered;
	[smem:$0x3FD2] =	sst s26  }
0x1e: {  	s5 =	sshll.u32 s27, $0x1;
	_ =	strace $0x80000049;
	[dreg:$0x1] =	wrdreg $0xFFFFFFFF  }
0x1f: {  	s28 =	simm.s32 $_size_execute0_lowered;
	s3 =	sadd.s32 s3, s5;
	[dreg:$0x0] =	wrdreg $0x0  }
0x20: {  	s5 =	sshll.u32 s28, $0x1;
	[dreg:$0x2] =	wrdreg s3  }
0x21: {  	[dreg:$0x3] =	wrdreg s5  }
0x22: {  	[dreg:$0x4] =	wrdreg $0xC0  }
0x23: {  	_ =	task [dreg:s7], $0x5FFFF  }
0x24: {  	[dreg:$0x1] =	wrdreg $0xFFFFFFFF  }
0x25: {  	[dreg:$0x0] =	wrdreg $0x60  }
0x26: {  	[dreg:$0x2] =	wrdreg s25  }
0x27: {  	[dreg:$0x3] =	wrdreg s2  }
0x28: {  	[dreg:$0x4] =	wrdreg $0x9  }
0x29: {  	_ =	task.clear_ibuf [dreg:s7], $0x5FFFF;
	_ =	strace $0x90000049  }
0x2a: {  	s29 =	simm.s32 $0x9;
	_ =	strace $0x8000004B  }
0x2b: {  	_ =	swait.ge [sflag:s29], $0x1  }
0x2c: {  	[sflag:s29] =	ssyncadd.s32 $0xFFFFFFFF  }
0x2d: {  	_ =	strace $0x9000004B  }
0x2e: {  	_ =	sfence  }
0x2f: {  	s30 =	sld [smem:$0x0];
	_ =	sdelay $0x2  }
0x30: {  	s31 =	sshll.u32 s1, $0xD;
	s1 =	sshrl.u32 s1, $0x2  }
0x31: {  	s3 =	sand.u32 $0x4000, s31;
	s1 =	sadd.s32 s1, s30  }
0x32: {  	s0 =	sor.u32 s3, s0;
	s1 =	sshll.u32 s1, $0x11  }
0x33: {  	s0 =	sor.u32 s1, s0  }
0x34: {  	s0 =	sadd.s32 $0x8F2B, s0  }
0x35: {  	[sflag:s0] =	ssyncadd.remote.s32 $0x1  }
0x36: {  	_ =	sfence.sel $0xFFFF  }
0x37: {  	[dreg:$0x0] =	wrdreg $0xFFFFFFFF;
	(pc) =	sbr.abs _section_cstart, $3  }
0x38: {  	[dreg:$0x1] =	wrdreg $0xFFFFFFFF  }
0x39: {  	_ =	task.clear_ibuf [dreg:s7], $0x2FFFF;
	_ =	strace $0x9FFFFFFF  }
0x3a: {  	(tm) =	ssettm $0x7FFFFFFF  }
0x3b: {  	_ =	shalt  }
tec
execute0_lowered:
.L_overlay_start_1:
0x0: {  	(tag) =	ssettag $0x1  }
0x1: {  	s0 =	stileid.u32  }
0x2: {  	s1 =	srdreg.scid;
	s2 =	sshll.u32 s0, $0x7  }
0x3: {  	s7 =	rddreg [dreg:$0x0];
	s3 =	sshll.u32 s1, $0x4;
	s1 =	sand.u32 $0x380, s2  }
0x4: {  	s8 =	simm.s32 $0x2;
	s30 =	sand.u32 $0x10, s3;
	s31 =	ssub.s32 $0x400, s1  }
0x5: {  	s14 =	simm.s32 $0x0;
	s2 =	sor.u32 s0, s30;
	s4 =	sand.u32 $0x380, s31  }
0x6: {  	s2 =	sshrl.u32 s2, $0x3;
	p0 =	sne.s32 s4, $0x0;
	s4 =	simm.s32 $0x1  }
0x7: {  	s3 =	sshrl.u32 s31, $0xA;
	s5 =	ssub.s32 $0x1D, s2;
	s4 =	simm.s32 @!p0 $0x0  }
0x8: {  	s9 =	simm.s32 $0x2000;
	s5 =	sshrl.u32 s5, $0x2;
	s3 =	sadd.s32 s4, s3  }
0x9: {  	s16 =	simm.s32 $0x0;
	s15 =	simm.s32 $0x0;
	s6 =	smul.u32 s3, s5  }
.Ltmp0:
0xa: {  	s10 =	simm.s32 $0x0;
	s4 =	rddreg [dreg:$0x1];
	(pc) =	sbr.rel .LBB1_1-.Ltmp0, $4  }
0xb: {  	s13 =	simm.s32 $0x0;
	s7 =	sadd.s32 $0xA00, s7;
	s3 =	rddreg [dreg:$0x2]  }
0xc: {  	_ =	strace $0x8000004A;
	s5 =	simm.s32 $0x1;
	s6 =	smul.u32 $0x14, s6  }
0xd: {  	s12 =	smov.u32 s1;
	s11 =	smov.u32 s2;
	[sflag:s5] =	ssyncpa.u1 $0x0  }
0xe: {  	p0 =	por $0x0, $0x0;
	[sflag:s8] =	ssyncpa.u1 $0x0;
	s8 =	sor.u32 $0x1, s6  }
.LBB1_4:
0xf: {  	s19 =	sand.u32 $0xF80, s15;
	s16 =	smul.u32 $0x14000, s16  }
0x10: {  	s20 =	sshrl.u32 s15, $0x3;
	s19 =	sadd.s32 s4, s19  }
0x11: {  	s31 =	sand.u32 $0x7, s15;
	s20 =	sand.u32 $0xF, s20;
	s16 =	sadd.s32 s16, s19  }
0x12: {  	s14 =	sshll.u32 s14, $0xC;
	s15 =	sshll.u32 s31, $0x12;
	s16 =	sadd.s32 s20, s16  }
0x13: {  	[tilespmem:s18+$0x0 ss:$0x81] =	vst.msk $0xffff, v0;
	s15 =	sor.u32 $0x400, s15;
	s14 =	sadd.s32 s14, s16  }
0x14: {  	[hbm4b:s14+s15] =	stream.strided.scatter [tilespmem:s17], [sflag:$0x2], $0x1000, s9, s15, $0x20;
	[tilespmem:$0x4040] =	vst v63  }
.LBB1_5:
0x15: {  	s17 =	sadd.s32 $0x1, s10  }
0x16: {  	s14 =	sadd.s32 $0x4, s11;
	s18 =	smov.u32 s11;
	p2 =	sgt.s32 s17, $0x13  }
0x17: {  	s18 =	smov.u32 @p2 s14  }
0x18: {  	s20 =	smov.u32 s12;
	s14 =	sadd.s32 $0x400, s12;
	p3 =	sgt.s32 s18, $0x19  }
0x19: {  	s20 =	smov.u32 @p3 s14  }
0x1a: {  	s17 =	simm.s32 @p2 $0x0;
	p2 =	sgt.s32 s20, $0x3FF  }
0x1b: {  	p1 =	slt.u32 s13, $0x2;
	s20 =	smov.u32 @p2 s1;
	p2 =	sne.s32 s13, s8  }
.Ltmp1:
0x1c: {  	s19 =	simm.s32 @!p1 $0x2;
	(pc) =	sbr.rel @!p2 .LBB1_6-.Ltmp1, $4  }
0x1d: {  	s16 =	smov.u32 s11;
	s15 =	smov.u32 s12;
	_ =	swait.ge @!p1 [sflag:s19], $0x1000  }
0x1e: {  	p0 =	por !p0, !p0;
	[sflag:s19] =	ssyncset.done @!p1 $0x0;
	s18 =	smov.u32 @p3 s2  }
0x1f: {  	s14 =	smov.u32 s10;
	[sflag:s19] =	ssyncadd.s32 @!p1 $0xFFFFF000;
	s10 =	smov.u32 s17  }
0x20: {  	s11 =	smov.u32 s18;
	s13 =	sadd.s32 $0x1, s13;
	s12 =	smov.u32 s20  }
.LBB1_1:
0x21: {  	p1 =	sge.u32 s13, s6  }
0x22: {  	s17 =	sand.u32 @!p1 $0x1FFFFFF, s10;
	s19 =	smul.u32 @!p1 $0x2700, s12  }
0x23: {  	s18 =	smulhi.u32 @!p1 $0xAAAAAAB, s17  }
0x24: {  	s21 =	smul.u32 @!p1 $0x180, s11  }
0x25: {  	s18 =	smul.u32 @!p1 $0x18, s18  }
0x26: {  	s31 =	sadd.s32 $0xFFFFFFFF, s13;
	s19 =	sadd.s32 @!p1 s7, s19  }
0x27: {  	s20 =	sxor.u32 @!p1 $0xFFFFFFFF, s13;
	s19 =	sadd.s32 @!p1 s21, s19;
	s17 =	ssub.s32 @!p1 s17, s18  }
0x28: {  	s18 =	sshll.u32 @!p1 s20, $0xC;
	s20 =	simm.s32 @!p1 $0x13800;
	s17 =	sshll.u32 @!p1 s17, $0x4  }
0x29: {  	s18 =	sand.u32 @!p1 $0x1000, s18;
	s17 =	sadd.s32 @!p1 s17, s19;
	s19 =	simm.s32 @!p1 $0x20  }
0x2a: {  	[tilespmem:s18], [sflag:$0x1] =	stream.strided.gather @!p1 [hbm4b:s17+s19], $0x1000, s20, s19, $0x38;
	[tilespmem:$0x4040] =	vst v63  }
0x2b: {  	p1 =	sge.u32 s31, s6  }
.Ltmp2:
0x2c: {  	_ = 	snop;
	(pc) =	sbr.rel @p1 .LBB1_5-.Ltmp2, $1  }
0x2d: {  	_ =	sdelay $0x3  }
0x2e: {  	s17 =	simm.s32 $0x1  }
0x2f: {  	_ =	swait.ge [sflag:s5], $0x1000;
	s17 =	simm.s32 @!p0 $0x0  }
0x30: {  	[sflag:s5] =	ssyncset.done $0x0;
	s18 =	sshll.u32 s17, $0xC  }
0x31: {  	[sflag:s5] =	ssyncadd.s32 $0xFFFFF000;
	s21 =	sor.u32 $0x10, s18  }
0x32: {  	s17 =	smul.u32 $0x4080, s17;
	v1 =	vld [tilespmem:s21+$0x0]  }
0x33: {  	s30 =	sand.u32 $0x1, s13;
	v0 =	vld [tilespmem:s21+$0xFFFFFFF0]  }
0x34: {  	s18 =	smul.u32 $0x4080, s30;
	s17 =	sshrl.u32 s17, $0x2  }
0x35: {  	s19 =	sor.u32 $0x2000, s17  }
0x36: {  	s31 =	sshrl.u32 s18, $0x2;
	s18 =	sadd.s32 $0x0, s19  }
0x37: {  	s20 =	simm.s32 $0x4;
	s21 =	sadd.s32 $0x20, s21;
	s17 =	sor.u32 $0x2000, s31;
	[tilespmem:s18+$0x810 ss:$0x81] =	vst.msk $0xffff, v1  }
.LBB1_3:
0x38: {  	v1 =	vld [tilespmem:s21+$0x0];
	p1 =	sne.s32 s20, $0x1FC;
	[tilespmem:s18+$0x0 ss:$0x81] =	vst.msk $0xffff, v0;
	s18 =	smov.u32 s20;
	s20 =	sadd.s32 $0x4, s20  }
.Ltmp3:
0x39: {  	v0 =	vld [tilespmem:s21+$0xFFFFFFF0];
	(pc) =	sbr.rel @p1 .LBB1_3-.Ltmp3, $4  }
0x3a: {  	_ = 	snop  }
0x3b: {  	s18 =	sshra.s32 s18, $0x2  }
0x3c: {  	s18 =	sadd.s32 s18, s19  }
0x3d: {  	s21 =	sadd.s32 $0x20, s21;
	[tilespmem:s18+$0x810 ss:$0x81] =	vst.msk $0xffff, v1  }
.Ltmp4:
0x3e: {  	_ = 	snop;
	(pc) =	sbr.rel .LBB1_4-.Ltmp4, $1  }
0x3f: {  	_ =	sdelay $0x3  }
.LBB1_6:
0x40: {  	_ =	sfence.sel $0x180000  }
0x41: {  	s1 =	simm.s32 $0x1;
	[bflag:$0x0] =	sbarrier.arrive $0xFFFF  }
0x42: {  	s31 =	simm.s32 $0x2;
	[sflag:s1] =	ssyncpa.u1 $0x1  }
0x43: {  	[sflag:s31] =	ssyncpa.u1 $0x1  }
0x44: {  	p0 =	sne.s32 s0, $0x0;
	_ =	strace $0x9000004A  }
0x45: {  	s0 =	sadd.s32 @!p0 $0x100000, s3;
	[bflag:$0x2] =	sbarrier.arrive $0xFFFF  }
0x46: {  	[sflag:s0] =	ssyncadd.tile.s32 @!p0 $0x1;
	_ =	shalt  }
.Lfunc_end1:
_tile_overlayer_lowered:
.L_overlay_start_2:
0x47: {  	(tag) =	ssettag $0x2  }
0x48: {  	s0 =	rddreg [dreg:$0x0];
	s2 =	stileid.u32  }
0x49: {  	s1 =	rddreg [dreg:$0x1];
	p0 =	sne.s32 s2, $0x0  }
0x4a: {  	s3 =	rddreg [dreg:$0x2];
	[bflag:$0x3] =	sbarrier.arrive $0xFFFF;
	s2 =	simm.s32 @!p0 $0x1C01  }
0x4b: {  	[timem:s3], [sflag:s2] =	dma.local @!p0 [hbm:s0], s1  }
0x4c: {  	s0 =	simm.s32 @!p0 $0x1  }
0x4d: {  	_ =	swait.ge @!p0 [sflag:s0], s1  }
0x4e: {  	s1 =	ssub.s32 @!p0 $0x0, s1;
	[sflag:s0] =	ssyncset.done @!p0 $0x0  }
0x4f: {  	[sflag:s0] =	ssyncadd.s32 @!p0 s1  }
0x50: {  	[bflag:$0x3] =	sbarrier.arrive $0xFFFF  }
0x51: {  	_ =	shalt  }

</sc_bundles>
